<compile_context>
chip_gen: v7x
topology: tpu7x:2x2x1
jax: 0.10.2.dev20260603
libtpu: 0.0.44.dev20260713+nightly
codegen_flags: <defaults>
</compile_context>

<pallas_src>
import functools

import jax
import jax.numpy as jnp
from jax import lax
from jax.experimental import pallas as pl
from jax.experimental.pallas import tpu as pltpu
from jax.experimental.pallas import tpu_sc as plsc

N = 10000
E = 320000
D = 128
NC = 2
NS = 16
NW = NC * NS
C = 112
WCH = 90
EPAD = NW * WCH * C
NPAD = 10240
NPT = NPAD // NS


LAG = 8


def _sc_degrees(edges_hbm, ones_hbm, zeros_hbm,
                odeg_out, ideg_out,
                odeg_sh, ideg_sh, ones_v, sidx_v, didx_v, osem, isem,
                zsem):
    c = lax.axis_index("c")
    s = lax.axis_index("s")
    wid = c * NS + s
    row0 = pl.multiple_of(s * NPT, 8)
    pltpu.async_copy(zeros_hbm, odeg_sh.at[pl.ds(row0, NPT)], zsem)
    pltpu.async_copy(zeros_hbm, ideg_sh.at[pl.ds(row0, NPT)], zsem)
    pltpu.sync_copy(ones_hbm, ones_v)
    pltpu.sync_copy(edges_hbm.at[0, wid], sidx_v)
    pltpu.sync_copy(edges_hbm.at[1, wid], didx_v)
    pltpu.make_async_copy(zeros_hbm, odeg_sh.at[pl.ds(row0, NPT)], zsem).wait()
    pltpu.make_async_copy(zeros_hbm, ideg_sh.at[pl.ds(row0, NPT)], zsem).wait()
    plsc.subcore_barrier()

    def fire(j, carry):
        pltpu.async_copy(ones_v, odeg_sh.at[sidx_v.at[j]], osem, add=True)
        pltpu.async_copy(ones_v, ideg_sh.at[didx_v.at[j]], isem, add=True)

        @pl.when(j >= LAG)
        def _():
            jw = j - LAG
            pltpu.make_async_copy(ones_v, odeg_sh.at[sidx_v.at[jw]],
                                  osem).wait()
            pltpu.make_async_copy(ones_v, ideg_sh.at[didx_v.at[jw]],
                                  isem).wait()

        return carry

    lax.fori_loop(0, WCH, fire, 0)

    def drain(j, carry):
        jw = WCH - LAG + j
        pltpu.make_async_copy(ones_v, odeg_sh.at[sidx_v.at[jw]], osem).wait()
        pltpu.make_async_copy(ones_v, ideg_sh.at[didx_v.at[jw]], isem).wait()
        return carry

    lax.fori_loop(0, LAG, drain, 0)
    plsc.subcore_barrier()

    pltpu.sync_copy(odeg_sh.at[pl.ds(row0, NPT)],
                    odeg_out.at[c, pl.ds(row0, NPT)])
    pltpu.sync_copy(ideg_sh.at[pl.ds(row0, NPT)],
                    ideg_out.at[c, pl.ds(row0, NPT)])


def _sc_aggregate(h_hbm, edges_hbm, zeros_hbm,
                  agg_out,
                  agg_sh, sidx_v, didx_v, r0_v, r1_v,
                  gsem0, gsem1, zsem):
    c = lax.axis_index("c")
    s = lax.axis_index("s")
    wid = c * NS + s
    row0 = pl.multiple_of(s * NPT, 8)
    pltpu.async_copy(zeros_hbm, agg_sh.at[pl.ds(row0, NPT)], zsem)
    pltpu.sync_copy(edges_hbm.at[0, wid], sidx_v)
    pltpu.sync_copy(edges_hbm.at[1, wid], didx_v)
    pltpu.make_async_copy(zeros_hbm, agg_sh.at[pl.ds(row0, NPT)], zsem).wait()
    plsc.subcore_barrier()

    pltpu.make_async_copy(h_hbm.at[sidx_v.at[0]], r0_v, gsem0).start()

    def body(i, carry):
        j0 = pl.multiple_of(2 * i, 2)
        j1 = j0 + 1
        pltpu.make_async_copy(h_hbm.at[sidx_v.at[j1]], r1_v, gsem1).start()
        pltpu.make_async_copy(h_hbm.at[sidx_v.at[j0]], r0_v, gsem0).wait()
        pltpu.sync_copy(r0_v, agg_sh.at[didx_v.at[j0]], add=True)

        @pl.when(j1 + 1 < WCH)
        def _():
            pltpu.make_async_copy(h_hbm.at[sidx_v.at[j1 + 1]], r0_v,
                                  gsem0).start()

        pltpu.make_async_copy(h_hbm.at[sidx_v.at[j1]], r1_v, gsem1).wait()
        pltpu.sync_copy(r1_v, agg_sh.at[didx_v.at[j1]], add=True)
        return carry

    lax.fori_loop(0, WCH // 2, body, 0)
    plsc.subcore_barrier()

    pltpu.sync_copy(agg_sh.at[pl.ds(row0, NPT)],
                    agg_out.at[c, pl.ds(row0, NPT)])


@functools.lru_cache(maxsize=None)
def _sc_kernels():
    mesh = plsc.VectorSubcoreMesh(core_axis_name="c", subcore_axis_name="s",
                                  num_cores=NC, num_subcores=NS)
    degrees = pl.kernel(
        _sc_degrees,
        out_type=(
            jax.ShapeDtypeStruct((NC, NPAD, 16), jnp.float32),
            jax.ShapeDtypeStruct((NC, NPAD, 16), jnp.float32),
        ),
        mesh=mesh,
        scratch_types=[
            pltpu.VMEM_SHARED((NPAD, 16), jnp.float32),
            pltpu.VMEM_SHARED((NPAD, 16), jnp.float32),
            pltpu.VMEM((C, 16), jnp.float32),
            pltpu.VMEM((WCH, C), jnp.int32),
            pltpu.VMEM((WCH, C), jnp.int32),
            pltpu.SemaphoreType.DMA,
            pltpu.SemaphoreType.DMA,
            pltpu.SemaphoreType.DMA,
        ],
        compiler_params=pltpu.CompilerParams(use_tc_tiling_on_sc=False),
    )
    aggregate = pl.kernel(
        _sc_aggregate,
        out_type=jax.ShapeDtypeStruct((NC, NPAD, D), jnp.float32),
        mesh=mesh,
        scratch_types=[
            pltpu.VMEM_SHARED((NPAD, D), jnp.float32),
            pltpu.VMEM((WCH, C), jnp.int32),
            pltpu.VMEM((WCH, C), jnp.int32),
            pltpu.VMEM((C, D), jnp.float32),
            pltpu.VMEM((C, D), jnp.float32),
            pltpu.SemaphoreType.DMA,
            pltpu.SemaphoreType.DMA,
            pltpu.SemaphoreType.DMA,
        ],
        compiler_params=pltpu.CompilerParams(use_tc_tiling_on_sc=False),
    )
    return degrees, aggregate


def _tc_scale_body(x_ref, odeg_ref, h_ref):
    od = (lax.slice(odeg_ref[0], (0, 0), (N, 1))
          + lax.slice(odeg_ref[1], (0, 0), (N, 1)))
    onorm = lax.rsqrt(jnp.where(od > 0.0, od, 1.0))
    h = x_ref[...] * onorm
    h_ref[...] = jnp.concatenate(
        [h, jnp.zeros((NPAD - N, D), jnp.float32)], axis=0)


def _tc_final_body(agg_ref, ideg_ref, x_ref, w_ref, b_ref, g_ref, bt_ref,
                   out_ref):
    agg = lax.slice(agg_ref[0], (0, 0), (N, D)) + lax.slice(
        agg_ref[1], (0, 0), (N, D))
    idg = (lax.slice(ideg_ref[0], (0, 0), (N, 1))
           + lax.slice(ideg_ref[1], (0, 0), (N, 1)))
    inorm = lax.rsqrt(jnp.where(idg > 0.0, idg, 1.0))
    h = jnp.dot(agg * inorm, w_ref[...],
                preferred_element_type=jnp.float32) + b_ref[...]
    mean = jnp.mean(h, axis=0, keepdims=True)
    ctr = h - mean
    var = jnp.mean(ctr * ctr, axis=0, keepdims=True)
    hn = ctr * lax.rsqrt(var + 1e-5) * g_ref[...] + bt_ref[...]
    out_ref[...] = jnp.maximum(hn, 0.0) + x_ref[...]


_tc_scale = pl.pallas_call(
    _tc_scale_body,
    out_shape=jax.ShapeDtypeStruct((NPAD, D), jnp.float32),
)

_tc_final = pl.pallas_call(
    _tc_final_body,
    out_shape=jax.ShapeDtypeStruct((N, D), jnp.float32),
)


def kernel(x, edge_index, W, b, gamma, beta):
    sc_degrees, sc_aggregate = _sc_kernels()
    ei = edge_index.astype(jnp.int32)
    pad = jnp.tile(N + (jnp.arange(EPAD - E, dtype=jnp.int32) % (NPAD - N)),
                   (2, 1))
    ei4 = jnp.concatenate([ei, pad], axis=1).reshape(2, NW, WCH, C)
    ones16 = jnp.ones((C, 16), jnp.float32)
    zeros16 = jnp.zeros((NPT, 16), jnp.float32)
    zerosd = jnp.zeros((NPT, D), jnp.float32)

    odeg, ideg = sc_degrees(ei4, ones16, zeros16)
    h = _tc_scale(x, odeg)
    aggp = sc_aggregate(h, ei4, zerosd)
    out = _tc_final(aggp, ideg, x, W, b.reshape(1, D),
                    gamma.reshape(1, D), beta.reshape(1, D))
    return out

# --- scband reference (transcript-rebuilt; emitter-appended) ---
"""Pipeline reference for scband-deep-gcnlayer-55027120996500 (READ-ONLY COPY).

The authoritative reference and input builder live on the scoring server;
editing this copy changes nothing except your own understanding.
"""

import jax, jax.numpy as jnp
import numpy as np

N_NODES = 10000
N_EDGES = 320000
EMB_DIM = 128

def setup_inputs(seed: int = 0) -> dict:
    key = jax.random.key(seed)
    k1, k2, k3, k4, k5, k6 = jax.random.split(key, 6)
    x = jax.random.normal(k1, (N_NODES, EMB_DIM), dtype=jnp.float32)
    edge_index = jax.random.randint(k2, (2, N_EDGES), 0, N_NODES, dtype=jnp.int64)
    # GraphConv weight (Glorot) and bias
    limit = float(np.sqrt(6.0 / (EMB_DIM + EMB_DIM)))
    W = jax.random.uniform(k3, (EMB_DIM, EMB_DIM), minval=-limit, maxval=limit, dtype=jnp.float32)
    b = jnp.zeros((EMB_DIM,), dtype=jnp.float32)
    # BatchNorm1d affine params
    gamma = jnp.ones((EMB_DIM,), dtype=jnp.float32)
    beta = jnp.zeros((EMB_DIM,), dtype=jnp.float32)
    return {"x": x, "edge_index": edge_index, "W": W, "b": b, "gamma": gamma, "beta": beta}

def reference(x, edge_index, W, b, gamma, beta):
    # DGL GraphConv(emb_dim, emb_dim) with default norm='both':
    #   h = D_in^{-1/2} A D_out^{-1/2} x W + b
    src = edge_index[0]
    dst = edge_index[1]
    n = x.shape[0]
    ones = jnp.ones((src.shape[0],), dtype=x.dtype)
    out_deg = jnp.zeros((n,), dtype=x.dtype).at[src].add(ones)
    in_deg = jnp.zeros((n,), dtype=x.dtype).at[dst].add(ones)
    out_norm = jnp.where(out_deg > 0, out_deg, 1.0) ** -0.5
    in_norm = jnp.where(in_deg > 0, in_deg, 1.0) ** -0.5
    h = x * out_norm[:, None]
    msgs = jnp.take(h, src, axis=0)                      # gather (SparseCore)
    agg = jnp.zeros_like(x).at[dst].add(msgs)            # scatter-add (SparseCore)
    agg = agg * in_norm[:, None]
    h = agg @ W + b
    # BatchNorm1d (training mode: batch statistics), eps=1e-5
    mean = jnp.mean(h, axis=0)
    var = jnp.var(h, axis=0)
    h = (h - mean) / jnp.sqrt(var + 1e-5) * gamma + beta
    # ReLU
    h = jax.nn.relu(h)
    # Dropout treated as identity for deterministic reference
    # residual
    out = h + x
    return out

if __name__ == "__main__":
    import jax
    _d = setup_inputs()
    print(jax.jit(kernel)(*tuple(_d.values())))

</pallas_src>

<mosaic_0001>
#map = affine_map<(d0, d1) -> (0, 0, 0, 0)>
#map1 = affine_map<(d0, d1) -> (0, 0)>
#map2 = affine_map<(d0, d1) -> (0, 0, 0)>
module attributes {stable_mosaic.version = 14 : i64} {
  func.func @_sc_degrees(%arg0: i32, %arg1: i32, %arg2: memref<2x32x90x112xi32, #tpu.memory_space<hbm>>, %arg3: memref<112x16xf32, #tpu.memory_space<hbm>>, %arg4: memref<640x16xf32, #tpu.memory_space<hbm>>, %arg5: memref<2x10240x16xf32, #tpu.memory_space<hbm>>, %arg6: memref<2x10240x16xf32, #tpu.memory_space<hbm>>, %arg7: memref<10240x16xf32, #tpu.memory_space<vmem_shared>>, %arg8: memref<10240x16xf32, #tpu.memory_space<vmem_shared>>, %arg9: memref<112x16xf32, #tpu.memory_space<vmem>>, %arg10: memref<90x112xi32, #tpu.memory_space<vmem>>, %arg11: memref<90x112xi32, #tpu.memory_space<vmem>>, %arg12: memref<!tpu.dma_semaphore, #tpu.memory_space<semaphore_mem>>, %arg13: memref<!tpu.dma_semaphore, #tpu.memory_space<semaphore_mem>>, %arg14: memref<!tpu.dma_semaphore, #tpu.memory_space<semaphore_mem>>) attributes {dimension_semantics = [#tpu.dimension_semantics<core_parallel>, #tpu.dimension_semantics<subcore_parallel>], iteration_bounds = array<i64: 2, 16>, scalar_prefetch = 0 : i64, scratch_operands = 8 : i64, tpu.core_type = #tpu.core_type<sc_vector_subcore>, window_params = [{transform_indices = #map}, {transform_indices = #map1}, {transform_indices = #map1}, {transform_indices = #map2}, {transform_indices = #map2}]} {
    %mul3A = arith.constant 16 : i32
    %mul3A_0 = arith.muli %arg0, %mul3A : i32
    %add3A = arith.addi %mul3A_0, %arg1 : i32
    %mul3A_1 = arith.constant 640 : i32
    %mul3A_2 = arith.muli %arg1, %mul3A_1 : i32
    %multiple_of3A = tpu.assume_multiple %mul3A_2, 8 : i32
    %dma_start3A = arith.constant 0 : i32
    %dma_start3A_3 = tpu.memref_slice %arg7[%multiple_of3A, %dma_start3A] : memref<10240x16xf32, #tpu.memory_space<vmem_shared>> -> memref<640x16xf32, #tpu.memory_space<vmem_shared>>
    tpu.enqueue_dma source(%arg4 : memref<640x16xf32, #tpu.memory_space<hbm>>) target(%dma_start3A_3 : memref<640x16xf32, #tpu.memory_space<vmem_shared>>) target_semaphore(%arg14 : memref<!tpu.dma_semaphore, #tpu.memory_space<semaphore_mem>>)
    %dma_start3A_4 = arith.constant 0 : i32
    %dma_start3A_5 = tpu.memref_slice %arg8[%multiple_of3A, %dma_start3A_4] : memref<10240x16xf32, #tpu.memory_space<vmem_shared>> -> memref<640x16xf32, #tpu.memory_space<vmem_shared>>
    tpu.enqueue_dma source(%arg4 : memref<640x16xf32, #tpu.memory_space<hbm>>) target(%dma_start3A_5 : memref<640x16xf32, #tpu.memory_space<vmem_shared>>) target_semaphore(%arg14 : memref<!tpu.dma_semaphore, #tpu.memory_space<semaphore_mem>>)
    "tpu.region"() ({
      %run_scoped3A_22 = tpu.sem_alloc : memref<!tpu.dma_semaphore, #tpu.memory_space<semaphore_mem>>
      tpu.enqueue_dma source(%arg3 : memref<112x16xf32, #tpu.memory_space<hbm>>) target(%arg9 : memref<112x16xf32, #tpu.memory_space<vmem>>) target_semaphore(%run_scoped3A_22 : memref<!tpu.dma_semaphore, #tpu.memory_space<semaphore_mem>>)
      tpu.wait_dma2 semaphore(%run_scoped3A_22 : memref<!tpu.dma_semaphore, #tpu.memory_space<semaphore_mem>>) src(%arg3 : memref<112x16xf32, #tpu.memory_space<hbm>>) dst(%arg9 : memref<112x16xf32, #tpu.memory_space<vmem>>)
      tpu.yield
    }) : () -> ()
    %run_scoped3A = arith.constant 0 : i32
    "tpu.region"() ({
      %run_scoped3A_22 = tpu.sem_alloc : memref<!tpu.dma_semaphore, #tpu.memory_space<semaphore_mem>>
      %dma_start3A_23 = arith.constant 0 : i32
      %dma_start3A_24 = arith.constant 0 : i32
      %dma_start3A_25 = tpu.memref_slice %arg2[%run_scoped3A, %add3A, %dma_start3A_23, %dma_start3A_24] : memref<2x32x90x112xi32, #tpu.memory_space<hbm>> -> memref<1x1x90x112xi32, #tpu.memory_space<hbm>>
      %dma_start3A_26 = tpu.memref_squeeze %dma_start3A_25 : memref<1x1x90x112xi32, #tpu.memory_space<hbm>> -> memref<90x112xi32, #tpu.memory_space<hbm>>
      %dma_start3A_27 = arith.constant 0 : i32
      %dma_start3A_28 = arith.constant 0 : i32
      %dma_start3A_29 = tpu.memref_slice %arg2[%run_scoped3A, %add3A, %dma_start3A_27, %dma_start3A_28] : memref<2x32x90x112xi32, #tpu.memory_space<hbm>> -> memref<1x1x90x112xi32, #tpu.memory_space<hbm>>
      %dma_start3A_30 = tpu.memref_squeeze %dma_start3A_29 : memref<1x1x90x112xi32, #tpu.memory_space<hbm>> -> memref<90x112xi32, #tpu.memory_space<hbm>>
      tpu.enqueue_dma source(%dma_start3A_30 : memref<90x112xi32, #tpu.memory_space<hbm>>) target(%arg10 : memref<90x112xi32, #tpu.memory_space<vmem>>) target_semaphore(%run_scoped3A_22 : memref<!tpu.dma_semaphore, #tpu.memory_space<semaphore_mem>>)
      %dma_wait3A_31 = arith.constant 0 : i32
      %dma_wait3A_32 = arith.constant 0 : i32
      %dma_wait3A_33 = tpu.memref_slice %arg2[%run_scoped3A, %add3A, %dma_wait3A_31, %dma_wait3A_32] : memref<2x32x90x112xi32, #tpu.memory_space<hbm>> -> memref<1x1x90x112xi32, #tpu.memory_space<hbm>>
      %dma_wait3A_34 = tpu.memref_squeeze %dma_wait3A_33 : memref<1x1x90x112xi32, #tpu.memory_space<hbm>> -> memref<90x112xi32, #tpu.memory_space<hbm>>
      %dma_wait3A_35 = arith.constant 0 : i32
      %dma_wait3A_36 = arith.constant 0 : i32
      %dma_wait3A_37 = tpu.memref_slice %arg2[%run_scoped3A, %add3A, %dma_wait3A_35, %dma_wait3A_36] : memref<2x32x90x112xi32, #tpu.memory_space<hbm>> -> memref<1x1x90x112xi32, #tpu.memory_space<hbm>>
      %dma_wait3A_38 = tpu.memref_squeeze %dma_wait3A_37 : memref<1x1x90x112xi32, #tpu.memory_space<hbm>> -> memref<90x112xi32, #tpu.memory_space<hbm>>
      tpu.wait_dma2 semaphore(%run_scoped3A_22 : memref<!tpu.dma_semaphore, #tpu.memory_space<semaphore_mem>>) src(%dma_wait3A_38 : memref<90x112xi32, #tpu.memory_space<hbm>>) dst(%arg10 : memref<90x112xi32, #tpu.memory_space<vmem>>)
      tpu.yield
    }) : () -> ()
    %run_scoped3A_6 = arith.constant 1 : i32
    "tpu.region"() ({
      %run_scoped3A_22 = tpu.sem_alloc : memref<!tpu.dma_semaphore, #tpu.memory_space<semaphore_mem>>
      %dma_start3A_23 = arith.constant 0 : i32
      %dma_start3A_24 = arith.constant 0 : i32
      %dma_start3A_25 = tpu.memref_slice %arg2[%run_scoped3A_6, %add3A, %dma_start3A_23, %dma_start3A_24] : memref<2x32x90x112xi32, #tpu.memory_space<hbm>> -> memref<1x1x90x112xi32, #tpu.memory_space<hbm>>
      %dma_start3A_26 = tpu.memref_squeeze %dma_start3A_25 : memref<1x1x90x112xi32, #tpu.memory_space<hbm>> -> memref<90x112xi32, #tpu.memory_space<hbm>>
      %dma_start3A_27 = arith.constant 0 : i32
      %dma_start3A_28 = arith.constant 0 : i32
      %dma_start3A_29 = tpu.memref_slice %arg2[%run_scoped3A_6, %add3A, %dma_start3A_27, %dma_start3A_28] : memref<2x32x90x112xi32, #tpu.memory_space<hbm>> -> memref<1x1x90x112xi32, #tpu.memory_space<hbm>>
      %dma_start3A_30 = tpu.memref_squeeze %dma_start3A_29 : memref<1x1x90x112xi32, #tpu.memory_space<hbm>> -> memref<90x112xi32, #tpu.memory_space<hbm>>
      tpu.enqueue_dma source(%dma_start3A_30 : memref<90x112xi32, #tpu.memory_space<hbm>>) target(%arg11 : memref<90x112xi32, #tpu.memory_space<vmem>>) target_semaphore(%run_scoped3A_22 : memref<!tpu.dma_semaphore, #tpu.memory_space<semaphore_mem>>)
      %dma_wait3A_31 = arith.constant 0 : i32
      %dma_wait3A_32 = arith.constant 0 : i32
      %dma_wait3A_33 = tpu.memref_slice %arg2[%run_scoped3A_6, %add3A, %dma_wait3A_31, %dma_wait3A_32] : memref<2x32x90x112xi32, #tpu.memory_space<hbm>> -> memref<1x1x90x112xi32, #tpu.memory_space<hbm>>
      %dma_wait3A_34 = tpu.memref_squeeze %dma_wait3A_33 : memref<1x1x90x112xi32, #tpu.memory_space<hbm>> -> memref<90x112xi32, #tpu.memory_space<hbm>>
      %dma_wait3A_35 = arith.constant 0 : i32
      %dma_wait3A_36 = arith.constant 0 : i32
      %dma_wait3A_37 = tpu.memref_slice %arg2[%run_scoped3A_6, %add3A, %dma_wait3A_35, %dma_wait3A_36] : memref<2x32x90x112xi32, #tpu.memory_space<hbm>> -> memref<1x1x90x112xi32, #tpu.memory_space<hbm>>
      %dma_wait3A_38 = tpu.memref_squeeze %dma_wait3A_37 : memref<1x1x90x112xi32, #tpu.memory_space<hbm>> -> memref<90x112xi32, #tpu.memory_space<hbm>>
      tpu.wait_dma2 semaphore(%run_scoped3A_22 : memref<!tpu.dma_semaphore, #tpu.memory_space<semaphore_mem>>) src(%dma_wait3A_38 : memref<90x112xi32, #tpu.memory_space<hbm>>) dst(%arg11 : memref<90x112xi32, #tpu.memory_space<vmem>>)
      tpu.yield
    }) : () -> ()
    %dma_wait3A = arith.constant 0 : i32
    %dma_wait3A_7 = tpu.memref_slice %arg7[%multiple_of3A, %dma_wait3A] : memref<10240x16xf32, #tpu.memory_space<vmem_shared>> -> memref<640x16xf32, #tpu.memory_space<vmem_shared>>
    tpu.wait_dma2 semaphore(%arg14 : memref<!tpu.dma_semaphore, #tpu.memory_space<semaphore_mem>>) src(%arg4 : memref<640x16xf32, #tpu.memory_space<hbm>>) dst(%dma_wait3A_7 : memref<640x16xf32, #tpu.memory_space<vmem_shared>>)
    %dma_wait3A_8 = arith.constant 0 : i32
    %dma_wait3A_9 = tpu.memref_slice %arg8[%multiple_of3A, %dma_wait3A_8] : memref<10240x16xf32, #tpu.memory_space<vmem_shared>> -> memref<640x16xf32, #tpu.memory_space<vmem_shared>>
    tpu.wait_dma2 semaphore(%arg14 : memref<!tpu.dma_semaphore, #tpu.memory_space<semaphore_mem>>) src(%arg4 : memref<640x16xf32, #tpu.memory_space<hbm>>) dst(%dma_wait3A_9 : memref<640x16xf32, #tpu.memory_space<vmem_shared>>)
    %barrier3A = arith.constant 0 : index
    tpu.barrier barrier_id(%barrier3A)
    %scan3A = arith.constant 0 : i32
    %scan3A_10 = arith.constant 0 : i32
    %scan3A_11 = arith.constant 90 : i32
    %scan3A_12 = arith.addi %scan3A_10, %scan3A_11 : i32
    %scan3A_13 = arith.constant 1 : i32
    scf.for %scan3A_22 = %scan3A_10 to %scan3A_12 step %scan3A_13  : i32 {
      %dma_start3A_23 = arith.constant 0 : i32
      %dma_start3A_24 = tpu.memref_slice %arg10[%scan3A_22, %dma_start3A_23] : memref<90x112xi32, #tpu.memory_space<vmem>> -> memref<1x112xi32, #tpu.memory_space<vmem>>
      %dma_start3A_25 = tpu.memref_squeeze %dma_start3A_24 : memref<1x112xi32, #tpu.memory_space<vmem>> -> memref<112xi32, #tpu.memory_space<vmem>>
      %dma_start3A_26 = arith.constant 0 : i32
      %dma_start3A_27 = arith.constant 0 : i32
      %dma_start3A_28 = tpu.memref_slice %arg7[%dma_start3A_26, %dma_start3A_27] : memref<10240x16xf32, #tpu.memory_space<vmem_shared>> -> memref<10240x16xf32, #tpu.memory_space<vmem_shared>>
      tpu.enqueue_indirect_dma source(%arg9 : memref<112x16xf32, #tpu.memory_space<vmem>>) target(%dma_start3A_28 : memref<10240x16xf32, #tpu.memory_space<vmem_shared>>) offsets(%dma_start3A_25 : memref<112xi32, #tpu.memory_space<vmem>>) semaphore(%arg12 : memref<!tpu.dma_semaphore, #tpu.memory_space<semaphore_mem>>) {add = true}
      %dma_start3A_29 = arith.constant 0 : i32
      %dma_start3A_30 = tpu.memref_slice %arg11[%scan3A_22, %dma_start3A_29] : memref<90x112xi32, #tpu.memory_space<vmem>> -> memref<1x112xi32, #tpu.memory_space<vmem>>
      %dma_start3A_31 = tpu.memref_squeeze %dma_start3A_30 : memref<1x112xi32, #tpu.memory_space<vmem>> -> memref<112xi32, #tpu.memory_space<vmem>>
      %dma_start3A_32 = arith.constant 0 : i32
      %dma_start3A_33 = arith.constant 0 : i32
      %dma_start3A_34 = tpu.memref_slice %arg8[%dma_start3A_32, %dma_start3A_33] : memref<10240x16xf32, #tpu.memory_space<vmem_shared>> -> memref<10240x16xf32, #tpu.memory_space<vmem_shared>>
      tpu.enqueue_indirect_dma source(%arg9 : memref<112x16xf32, #tpu.memory_space<vmem>>) target(%dma_start3A_34 : memref<10240x16xf32, #tpu.memory_space<vmem_shared>>) offsets(%dma_start3A_31 : memref<112xi32, #tpu.memory_space<vmem>>) semaphore(%arg13 : memref<!tpu.dma_semaphore, #tpu.memory_space<semaphore_mem>>) {add = true}
      %ge3A = arith.constant 8 : i32
      %ge3A_35 = arith.cmpi sge, %scan3A_22, %ge3A : i32
      %convert_element_type3A = arith.extui %ge3A_35 : i1 to i32
      %cond3A = arith.constant 0 : i32
      %cond3A_36 = arith.cmpi ne, %convert_element_type3A, %cond3A : i32
      scf.if %cond3A_36 {
        %sub3A = arith.constant 8 : i32
        %sub3A_37 = arith.subi %scan3A_22, %sub3A : i32
        %dma_wait3A_38 = arith.constant 0 : i32
        %dma_wait3A_39 = tpu.memref_slice %arg10[%sub3A_37, %dma_wait3A_38] : memref<90x112xi32, #tpu.memory_space<vmem>> -> memref<1x112xi32, #tpu.memory_space<vmem>>
        %dma_wait3A_40 = tpu.memref_squeeze %dma_wait3A_39 : memref<1x112xi32, #tpu.memory_space<vmem>> -> memref<112xi32, #tpu.memory_space<vmem>>
        %dma_wait3A_41 = arith.constant 0 : i32
        %dma_wait3A_42 = arith.constant 0 : i32
        %dma_wait3A_43 = tpu.memref_slice %arg7[%dma_wait3A_41, %dma_wait3A_42] : memref<10240x16xf32, #tpu.memory_space<vmem_shared>> -> memref<10240x16xf32, #tpu.memory_space<vmem_shared>>
        tpu.wait_indirect_dma semaphore(%arg12 : memref<!tpu.dma_semaphore, #tpu.memory_space<semaphore_mem>>) src(%arg9 : memref<112x16xf32, #tpu.memory_space<vmem>>) dst(%dma_wait3A_43 : memref<10240x16xf32, #tpu.memory_space<vmem_shared>>)
        %dma_wait3A_44 = arith.constant 0 : i32
        %dma_wait3A_45 = tpu.memref_slice %arg11[%sub3A_37, %dma_wait3A_44] : memref<90x112xi32, #tpu.memory_space<vmem>> -> memref<1x112xi32, #tpu.memory_space<vmem>>
        %dma_wait3A_46 = tpu.memref_squeeze %dma_wait3A_45 : memref<1x112xi32, #tpu.memory_space<vmem>> -> memref<112xi32, #tpu.memory_space<vmem>>
        %dma_wait3A_47 = arith.constant 0 : i32
        %dma_wait3A_48 = arith.constant 0 : i32
        %dma_wait3A_49 = tpu.memref_slice %arg8[%dma_wait3A_47, %dma_wait3A_48] : memref<10240x16xf32, #tpu.memory_space<vmem_shared>> -> memref<10240x16xf32, #tpu.memory_space<vmem_shared>>
        tpu.wait_indirect_dma semaphore(%arg13 : memref<!tpu.dma_semaphore, #tpu.memory_space<semaphore_mem>>) src(%arg9 : memref<112x16xf32, #tpu.memory_space<vmem>>) dst(%dma_wait3A_49 : memref<10240x16xf32, #tpu.memory_space<vmem_shared>>)
      } else {
      }
    }
    %scan3A_14 = arith.constant 90 : i32
    %scan3A_15 = arith.constant 0 : i32
    %scan3A_16 = arith.constant 0 : i32
    %scan3A_17 = arith.constant 8 : i32
    %scan3A_18 = arith.addi %scan3A_16, %scan3A_17 : i32
    %scan3A_19 = arith.constant 1 : i32
    scf.for %scan3A_22 = %scan3A_16 to %scan3A_18 step %scan3A_19  : i32 {
      %add3A_23 = arith.constant 82 : i32
      %add3A_24 = arith.addi %add3A_23, %scan3A_22 : i32
      %dma_wait3A_25 = arith.constant 0 : i32
      %dma_wait3A_26 = tpu.memref_slice %arg10[%add3A_24, %dma_wait3A_25] : memref<90x112xi32, #tpu.memory_space<vmem>> -> memref<1x112xi32, #tpu.memory_space<vmem>>
      %dma_wait3A_27 = tpu.memref_squeeze %dma_wait3A_26 : memref<1x112xi32, #tpu.memory_space<vmem>> -> memref<112xi32, #tpu.memory_space<vmem>>
      %dma_wait3A_28 = arith.constant 0 : i32
      %dma_wait3A_29 = arith.constant 0 : i32
      %dma_wait3A_30 = tpu.memref_slice %arg7[%dma_wait3A_28, %dma_wait3A_29] : memref<10240x16xf32, #tpu.memory_space<vmem_shared>> -> memref<10240x16xf32, #tpu.memory_space<vmem_shared>>
      tpu.wait_indirect_dma semaphore(%arg12 : memref<!tpu.dma_semaphore, #tpu.memory_space<semaphore_mem>>) src(%arg9 : memref<112x16xf32, #tpu.memory_space<vmem>>) dst(%dma_wait3A_30 : memref<10240x16xf32, #tpu.memory_space<vmem_shared>>)
      %dma_wait3A_31 = arith.constant 0 : i32
      %dma_wait3A_32 = tpu.memref_slice %arg11[%add3A_24, %dma_wait3A_31] : memref<90x112xi32, #tpu.memory_space<vmem>> -> memref<1x112xi32, #tpu.memory_space<vmem>>
      %dma_wait3A_33 = tpu.memref_squeeze %dma_wait3A_32 : memref<1x112xi32, #tpu.memory_space<vmem>> -> memref<112xi32, #tpu.memory_space<vmem>>
      %dma_wait3A_34 = arith.constant 0 : i32
      %dma_wait3A_35 = arith.constant 0 : i32
      %dma_wait3A_36 = tpu.memref_slice %arg8[%dma_wait3A_34, %dma_wait3A_35] : memref<10240x16xf32, #tpu.memory_space<vmem_shared>> -> memref<10240x16xf32, #tpu.memory_space<vmem_shared>>
      tpu.wait_indirect_dma semaphore(%arg13 : memref<!tpu.dma_semaphore, #tpu.memory_space<semaphore_mem>>) src(%arg9 : memref<112x16xf32, #tpu.memory_space<vmem>>) dst(%dma_wait3A_36 : memref<10240x16xf32, #tpu.memory_space<vmem_shared>>)
    }
    %scan3A_20 = arith.constant 8 : i32
    %barrier3A_21 = arith.constant 0 : index
    tpu.barrier barrier_id(%barrier3A_21)
    "tpu.region"() ({
      %run_scoped3A_22 = tpu.sem_alloc : memref<!tpu.dma_semaphore, #tpu.memory_space<semaphore_mem>>
      %dma_start3A_23 = arith.constant 0 : i32
      %dma_start3A_24 = tpu.memref_slice %arg5[%arg0, %multiple_of3A, %dma_start3A_23] : memref<2x10240x16xf32, #tpu.memory_space<hbm>> -> memref<1x640x16xf32, #tpu.memory_space<hbm>>
      %dma_start3A_25 = tpu.memref_squeeze %dma_start3A_24 : memref<1x640x16xf32, #tpu.memory_space<hbm>> -> memref<640x16xf32, #tpu.memory_space<hbm>>
      %dma_start3A_26 = arith.constant 0 : i32
      %dma_start3A_27 = tpu.memref_slice %arg7[%multiple_of3A, %dma_start3A_26] : memref<10240x16xf32, #tpu.memory_space<vmem_shared>> -> memref<640x16xf32, #tpu.memory_space<vmem_shared>>
      tpu.enqueue_dma source(%dma_start3A_27 : memref<640x16xf32, #tpu.memory_space<vmem_shared>>) target(%dma_start3A_25 : memref<640x16xf32, #tpu.memory_space<hbm>>) target_semaphore(%run_scoped3A_22 : memref<!tpu.dma_semaphore, #tpu.memory_space<semaphore_mem>>)
      %dma_wait3A_28 = arith.constant 0 : i32
      %dma_wait3A_29 = tpu.memref_slice %arg5[%arg0, %multiple_of3A, %dma_wait3A_28] : memref<2x10240x16xf32, #tpu.memory_space<hbm>> -> memref<1x640x16xf32, #tpu.memory_space<hbm>>
      %dma_wait3A_30 = tpu.memref_squeeze %dma_wait3A_29 : memref<1x640x16xf32, #tpu.memory_space<hbm>> -> memref<640x16xf32, #tpu.memory_space<hbm>>
      %dma_wait3A_31 = arith.constant 0 : i32
      %dma_wait3A_32 = tpu.memref_slice %arg7[%multiple_of3A, %dma_wait3A_31] : memref<10240x16xf32, #tpu.memory_space<vmem_shared>> -> memref<640x16xf32, #tpu.memory_space<vmem_shared>>
      tpu.wait_dma2 semaphore(%run_scoped3A_22 : memref<!tpu.dma_semaphore, #tpu.memory_space<semaphore_mem>>) src(%dma_wait3A_32 : memref<640x16xf32, #tpu.memory_space<vmem_shared>>) dst(%dma_wait3A_30 : memref<640x16xf32, #tpu.memory_space<hbm>>)
      tpu.yield
    }) : () -> ()
    "tpu.region"() ({
      %run_scoped3A_22 = tpu.sem_alloc : memref<!tpu.dma_semaphore, #tpu.memory_space<semaphore_mem>>
      %dma_start3A_23 = arith.constant 0 : i32
      %dma_start3A_24 = tpu.memref_slice %arg6[%arg0, %multiple_of3A, %dma_start3A_23] : memref<2x10240x16xf32, #tpu.memory_space<hbm>> -> memref<1x640x16xf32, #tpu.memory_space<hbm>>
      %dma_start3A_25 = tpu.memref_squeeze %dma_start3A_24 : memref<1x640x16xf32, #tpu.memory_space<hbm>> -> memref<640x16xf32, #tpu.memory_space<hbm>>
      %dma_start3A_26 = arith.constant 0 : i32
      %dma_start3A_27 = tpu.memref_slice %arg8[%multiple_of3A, %dma_start3A_26] : memref<10240x16xf32, #tpu.memory_space<vmem_shared>> -> memref<640x16xf32, #tpu.memory_space<vmem_shared>>
      tpu.enqueue_dma source(%dma_start3A_27 : memref<640x16xf32, #tpu.memory_space<vmem_shared>>) target(%dma_start3A_25 : memref<640x16xf32, #tpu.memory_space<hbm>>) target_semaphore(%run_scoped3A_22 : memref<!tpu.dma_semaphore, #tpu.memory_space<semaphore_mem>>)
      %dma_wait3A_28 = arith.constant 0 : i32
      %dma_wait3A_29 = tpu.memref_slice %arg6[%arg0, %multiple_of3A, %dma_wait3A_28] : memref<2x10240x16xf32, #tpu.memory_space<hbm>> -> memref<1x640x16xf32, #tpu.memory_space<hbm>>
      %dma_wait3A_30 = tpu.memref_squeeze %dma_wait3A_29 : memref<1x640x16xf32, #tpu.memory_space<hbm>> -> memref<640x16xf32, #tpu.memory_space<hbm>>
      %dma_wait3A_31 = arith.constant 0 : i32
      %dma_wait3A_32 = tpu.memref_slice %arg8[%multiple_of3A, %dma_wait3A_31] : memref<10240x16xf32, #tpu.memory_space<vmem_shared>> -> memref<640x16xf32, #tpu.memory_space<vmem_shared>>
      tpu.wait_dma2 semaphore(%run_scoped3A_22 : memref<!tpu.dma_semaphore, #tpu.memory_space<semaphore_mem>>) src(%dma_wait3A_32 : memref<640x16xf32, #tpu.memory_space<vmem_shared>>) dst(%dma_wait3A_30 : memref<640x16xf32, #tpu.memory_space<hbm>>)
      tpu.yield
    }) : () -> ()
    return
  }
}

#map = affine_map<(d0, d1) -> (0, 0)>
#map1 = affine_map<(d0, d1) -> (0, 0, 0, 0)>
#map2 = affine_map<(d0, d1) -> (0, 0, 0)>
module attributes {stable_mosaic.version = 14 : i64} {
  func.func @_sc_aggregate(%arg0: i32, %arg1: i32, %arg2: memref<10240x128xf32, #tpu.memory_space<hbm>>, %arg3: memref<2x32x90x112xi32, #tpu.memory_space<hbm>>, %arg4: memref<640x128xf32, #tpu.memory_space<hbm>>, %arg5: memref<2x10240x128xf32, #tpu.memory_space<hbm>>, %arg6: memref<10240x128xf32, #tpu.memory_space<vmem_shared>>, %arg7: memref<90x112xi32, #tpu.memory_space<vmem>>, %arg8: memref<90x112xi32, #tpu.memory_space<vmem>>, %arg9: memref<112x128xf32, #tpu.memory_space<vmem>>, %arg10: memref<112x128xf32, #tpu.memory_space<vmem>>, %arg11: memref<!tpu.dma_semaphore, #tpu.memory_space<semaphore_mem>>, %arg12: memref<!tpu.dma_semaphore, #tpu.memory_space<semaphore_mem>>, %arg13: memref<!tpu.dma_semaphore, #tpu.memory_space<semaphore_mem>>) attributes {dimension_semantics = [#tpu.dimension_semantics<core_parallel>, #tpu.dimension_semantics<subcore_parallel>], iteration_bounds = array<i64: 2, 16>, scalar_prefetch = 0 : i64, scratch_operands = 8 : i64, tpu.core_type = #tpu.core_type<sc_vector_subcore>, window_params = [{transform_indices = #map}, {transform_indices = #map1}, {transform_indices = #map}, {transform_indices = #map2}]} {
    %mul3A = arith.constant 16 : i32
    %mul3A_0 = arith.muli %arg0, %mul3A : i32
    %add3A = arith.addi %mul3A_0, %arg1 : i32
    %mul3A_1 = arith.constant 640 : i32
    %mul3A_2 = arith.muli %arg1, %mul3A_1 : i32
    %multiple_of3A = tpu.assume_multiple %mul3A_2, 8 : i32
    %dma_start3A = arith.constant 0 : i32
    %dma_start3A_3 = tpu.memref_slice %arg6[%multiple_of3A, %dma_start3A] : memref<10240x128xf32, #tpu.memory_space<vmem_shared>> -> memref<640x128xf32, #tpu.memory_space<vmem_shared>>
    tpu.enqueue_dma source(%arg4 : memref<640x128xf32, #tpu.memory_space<hbm>>) target(%dma_start3A_3 : memref<640x128xf32, #tpu.memory_space<vmem_shared>>) target_semaphore(%arg13 : memref<!tpu.dma_semaphore, #tpu.memory_space<semaphore_mem>>)
    %run_scoped3A = arith.constant 0 : i32
    "tpu.region"() ({
      %run_scoped3A_19 = tpu.sem_alloc : memref<!tpu.dma_semaphore, #tpu.memory_space<semaphore_mem>>
      %dma_start3A_20 = arith.constant 0 : i32
      %dma_start3A_21 = arith.constant 0 : i32
      %dma_start3A_22 = tpu.memref_slice %arg3[%run_scoped3A, %add3A, %dma_start3A_20, %dma_start3A_21] : memref<2x32x90x112xi32, #tpu.memory_space<hbm>> -> memref<1x1x90x112xi32, #tpu.memory_space<hbm>>
      %dma_start3A_23 = tpu.memref_squeeze %dma_start3A_22 : memref<1x1x90x112xi32, #tpu.memory_space<hbm>> -> memref<90x112xi32, #tpu.memory_space<hbm>>
      %dma_start3A_24 = arith.constant 0 : i32
      %dma_start3A_25 = arith.constant 0 : i32
      %dma_start3A_26 = tpu.memref_slice %arg3[%run_scoped3A, %add3A, %dma_start3A_24, %dma_start3A_25] : memref<2x32x90x112xi32, #tpu.memory_space<hbm>> -> memref<1x1x90x112xi32, #tpu.memory_space<hbm>>
      %dma_start3A_27 = tpu.memref_squeeze %dma_start3A_26 : memref<1x1x90x112xi32, #tpu.memory_space<hbm>> -> memref<90x112xi32, #tpu.memory_space<hbm>>
      tpu.enqueue_dma source(%dma_start3A_27 : memref<90x112xi32, #tpu.memory_space<hbm>>) target(%arg7 : memref<90x112xi32, #tpu.memory_space<vmem>>) target_semaphore(%run_scoped3A_19 : memref<!tpu.dma_semaphore, #tpu.memory_space<semaphore_mem>>)
      %dma_wait3A_28 = arith.constant 0 : i32
      %dma_wait3A_29 = arith.constant 0 : i32
      %dma_wait3A_30 = tpu.memref_slice %arg3[%run_scoped3A, %add3A, %dma_wait3A_28, %dma_wait3A_29] : memref<2x32x90x112xi32, #tpu.memory_space<hbm>> -> memref<1x1x90x112xi32, #tpu.memory_space<hbm>>
      %dma_wait3A_31 = tpu.memref_squeeze %dma_wait3A_30 : memref<1x1x90x112xi32, #tpu.memory_space<hbm>> -> memref<90x112xi32, #tpu.memory_space<hbm>>
      %dma_wait3A_32 = arith.constant 0 : i32
      %dma_wait3A_33 = arith.constant 0 : i32
      %dma_wait3A_34 = tpu.memref_slice %arg3[%run_scoped3A, %add3A, %dma_wait3A_32, %dma_wait3A_33] : memref<2x32x90x112xi32, #tpu.memory_space<hbm>> -> memref<1x1x90x112xi32, #tpu.memory_space<hbm>>
      %dma_wait3A_35 = tpu.memref_squeeze %dma_wait3A_34 : memref<1x1x90x112xi32, #tpu.memory_space<hbm>> -> memref<90x112xi32, #tpu.memory_space<hbm>>
      tpu.wait_dma2 semaphore(%run_scoped3A_19 : memref<!tpu.dma_semaphore, #tpu.memory_space<semaphore_mem>>) src(%dma_wait3A_35 : memref<90x112xi32, #tpu.memory_space<hbm>>) dst(%arg7 : memref<90x112xi32, #tpu.memory_space<vmem>>)
      tpu.yield
    }) : () -> ()
    %run_scoped3A_4 = arith.constant 1 : i32
    "tpu.region"() ({
      %run_scoped3A_19 = tpu.sem_alloc : memref<!tpu.dma_semaphore, #tpu.memory_space<semaphore_mem>>
      %dma_start3A_20 = arith.constant 0 : i32
      %dma_start3A_21 = arith.constant 0 : i32
      %dma_start3A_22 = tpu.memref_slice %arg3[%run_scoped3A_4, %add3A, %dma_start3A_20, %dma_start3A_21] : memref<2x32x90x112xi32, #tpu.memory_space<hbm>> -> memref<1x1x90x112xi32, #tpu.memory_space<hbm>>
      %dma_start3A_23 = tpu.memref_squeeze %dma_start3A_22 : memref<1x1x90x112xi32, #tpu.memory_space<hbm>> -> memref<90x112xi32, #tpu.memory_space<hbm>>
      %dma_start3A_24 = arith.constant 0 : i32
      %dma_start3A_25 = arith.constant 0 : i32
      %dma_start3A_26 = tpu.memref_slice %arg3[%run_scoped3A_4, %add3A, %dma_start3A_24, %dma_start3A_25] : memref<2x32x90x112xi32, #tpu.memory_space<hbm>> -> memref<1x1x90x112xi32, #tpu.memory_space<hbm>>
      %dma_start3A_27 = tpu.memref_squeeze %dma_start3A_26 : memref<1x1x90x112xi32, #tpu.memory_space<hbm>> -> memref<90x112xi32, #tpu.memory_space<hbm>>
      tpu.enqueue_dma source(%dma_start3A_27 : memref<90x112xi32, #tpu.memory_space<hbm>>) target(%arg8 : memref<90x112xi32, #tpu.memory_space<vmem>>) target_semaphore(%run_scoped3A_19 : memref<!tpu.dma_semaphore, #tpu.memory_space<semaphore_mem>>)
      %dma_wait3A_28 = arith.constant 0 : i32
      %dma_wait3A_29 = arith.constant 0 : i32
      %dma_wait3A_30 = tpu.memref_slice %arg3[%run_scoped3A_4, %add3A, %dma_wait3A_28, %dma_wait3A_29] : memref<2x32x90x112xi32, #tpu.memory_space<hbm>> -> memref<1x1x90x112xi32, #tpu.memory_space<hbm>>
      %dma_wait3A_31 = tpu.memref_squeeze %dma_wait3A_30 : memref<1x1x90x112xi32, #tpu.memory_space<hbm>> -> memref<90x112xi32, #tpu.memory_space<hbm>>
      %dma_wait3A_32 = arith.constant 0 : i32
      %dma_wait3A_33 = arith.constant 0 : i32
      %dma_wait3A_34 = tpu.memref_slice %arg3[%run_scoped3A_4, %add3A, %dma_wait3A_32, %dma_wait3A_33] : memref<2x32x90x112xi32, #tpu.memory_space<hbm>> -> memref<1x1x90x112xi32, #tpu.memory_space<hbm>>
      %dma_wait3A_35 = tpu.memref_squeeze %dma_wait3A_34 : memref<1x1x90x112xi32, #tpu.memory_space<hbm>> -> memref<90x112xi32, #tpu.memory_space<hbm>>
      tpu.wait_dma2 semaphore(%run_scoped3A_19 : memref<!tpu.dma_semaphore, #tpu.memory_space<semaphore_mem>>) src(%dma_wait3A_35 : memref<90x112xi32, #tpu.memory_space<hbm>>) dst(%arg8 : memref<90x112xi32, #tpu.memory_space<vmem>>)
      tpu.yield
    }) : () -> ()
    %dma_wait3A = arith.constant 0 : i32
    %dma_wait3A_5 = tpu.memref_slice %arg6[%multiple_of3A, %dma_wait3A] : memref<10240x128xf32, #tpu.memory_space<vmem_shared>> -> memref<640x128xf32, #tpu.memory_space<vmem_shared>>
    tpu.wait_dma2 semaphore(%arg13 : memref<!tpu.dma_semaphore, #tpu.memory_space<semaphore_mem>>) src(%arg4 : memref<640x128xf32, #tpu.memory_space<hbm>>) dst(%dma_wait3A_5 : memref<640x128xf32, #tpu.memory_space<vmem_shared>>)
    %barrier3A = arith.constant 0 : index
    tpu.barrier barrier_id(%barrier3A)
    %dma_start3A_6 = arith.constant 0 : i32
    %dma_start3A_7 = arith.constant 0 : i32
    %dma_start3A_8 = tpu.memref_slice %arg7[%dma_start3A_6, %dma_start3A_7] : memref<90x112xi32, #tpu.memory_space<vmem>> -> memref<1x112xi32, #tpu.memory_space<vmem>>
    %dma_start3A_9 = tpu.memref_squeeze %dma_start3A_8 : memref<1x112xi32, #tpu.memory_space<vmem>> -> memref<112xi32, #tpu.memory_space<vmem>>
    %dma_start3A_10 = arith.constant 0 : i32
    %dma_start3A_11 = arith.constant 0 : i32
    %dma_start3A_12 = tpu.memref_slice %arg2[%dma_start3A_10, %dma_start3A_11] : memref<10240x128xf32, #tpu.memory_space<hbm>> -> memref<10240x128xf32, #tpu.memory_space<hbm>>
    tpu.enqueue_indirect_dma source(%dma_start3A_12 : memref<10240x128xf32, #tpu.memory_space<hbm>>) target(%arg9 : memref<112x128xf32, #tpu.memory_space<vmem>>) offsets(%dma_start3A_9 : memref<112xi32, #tpu.memory_space<vmem>>) semaphore(%arg11 : memref<!tpu.dma_semaphore, #tpu.memory_space<semaphore_mem>>)
    %scan3A = arith.constant 0 : i32
    %scan3A_13 = arith.constant 0 : i32
    %scan3A_14 = arith.constant 45 : i32
    %scan3A_15 = arith.addi %scan3A_13, %scan3A_14 : i32
    %scan3A_16 = arith.constant 1 : i32
    scf.for %scan3A_19 = %scan3A_13 to %scan3A_15 step %scan3A_16  : i32 {
      %mul3A_20 = arith.constant 2 : i32
      %mul3A_21 = arith.muli %mul3A_20, %scan3A_19 : i32
      %multiple_of3A_22 = tpu.assume_multiple %mul3A_21, 2 : i32
      %add3A_23 = arith.constant 1 : i32
      %add3A_24 = arith.addi %multiple_of3A_22, %add3A_23 : i32
      %dma_start3A_25 = arith.constant 0 : i32
      %dma_start3A_26 = tpu.memref_slice %arg7[%add3A_24, %dma_start3A_25] : memref<90x112xi32, #tpu.memory_space<vmem>> -> memref<1x112xi32, #tpu.memory_space<vmem>>
      %dma_start3A_27 = tpu.memref_squeeze %dma_start3A_26 : memref<1x112xi32, #tpu.memory_space<vmem>> -> memref<112xi32, #tpu.memory_space<vmem>>
      %dma_start3A_28 = arith.constant 0 : i32
      %dma_start3A_29 = arith.constant 0 : i32
      %dma_start3A_30 = tpu.memref_slice %arg2[%dma_start3A_28, %dma_start3A_29] : memref<10240x128xf32, #tpu.memory_space<hbm>> -> memref<10240x128xf32, #tpu.memory_space<hbm>>
      tpu.enqueue_indirect_dma source(%dma_start3A_30 : memref<10240x128xf32, #tpu.memory_space<hbm>>) target(%arg10 : memref<112x128xf32, #tpu.memory_space<vmem>>) offsets(%dma_start3A_27 : memref<112xi32, #tpu.memory_space<vmem>>) semaphore(%arg12 : memref<!tpu.dma_semaphore, #tpu.memory_space<semaphore_mem>>)
      %dma_wait3A_31 = arith.constant 0 : i32
      %dma_wait3A_32 = tpu.memref_slice %arg7[%multiple_of3A_22, %dma_wait3A_31] : memref<90x112xi32, #tpu.memory_space<vmem>> -> memref<1x112xi32, #tpu.memory_space<vmem>>
      %dma_wait3A_33 = tpu.memref_squeeze %dma_wait3A_32 : memref<1x112xi32, #tpu.memory_space<vmem>> -> memref<112xi32, #tpu.memory_space<vmem>>
      %dma_wait3A_34 = arith.constant 0 : i32
      %dma_wait3A_35 = arith.constant 0 : i32
      %dma_wait3A_36 = tpu.memref_slice %arg2[%dma_wait3A_34, %dma_wait3A_35] : memref<10240x128xf32, #tpu.memory_space<hbm>> -> memref<10240x128xf32, #tpu.memory_space<hbm>>
      tpu.wait_indirect_dma semaphore(%arg11 : memref<!tpu.dma_semaphore, #tpu.memory_space<semaphore_mem>>) src(%dma_wait3A_36 : memref<10240x128xf32, #tpu.memory_space<hbm>>) dst(%arg9 : memref<112x128xf32, #tpu.memory_space<vmem>>)
      "tpu.region"() ({
        %run_scoped3A_47 = tpu.sem_alloc : memref<!tpu.dma_semaphore, #tpu.memory_space<semaphore_mem>>
        %dma_start3A_48 = arith.constant 0 : i32
        %dma_start3A_49 = tpu.memref_slice %arg8[%multiple_of3A_22, %dma_start3A_48] : memref<90x112xi32, #tpu.memory_space<vmem>> -> memref<1x112xi32, #tpu.memory_space<vmem>>
        %dma_start3A_50 = tpu.memref_squeeze %dma_start3A_49 : memref<1x112xi32, #tpu.memory_space<vmem>> -> memref<112xi32, #tpu.memory_space<vmem>>
        %dma_start3A_51 = arith.constant 0 : i32
        %dma_start3A_52 = arith.constant 0 : i32
        %dma_start3A_53 = tpu.memref_slice %arg6[%dma_start3A_51, %dma_start3A_52] : memref<10240x128xf32, #tpu.memory_space<vmem_shared>> -> memref<10240x128xf32, #tpu.memory_space<vmem_shared>>
        tpu.enqueue_indirect_dma source(%arg9 : memref<112x128xf32, #tpu.memory_space<vmem>>) target(%dma_start3A_53 : memref<10240x128xf32, #tpu.memory_space<vmem_shared>>) offsets(%dma_start3A_50 : memref<112xi32, #tpu.memory_space<vmem>>) semaphore(%run_scoped3A_47 : memref<!tpu.dma_semaphore, #tpu.memory_space<semaphore_mem>>) {add = true}
        %dma_wait3A_54 = arith.constant 0 : i32
        %dma_wait3A_55 = tpu.memref_slice %arg8[%multiple_of3A_22, %dma_wait3A_54] : memref<90x112xi32, #tpu.memory_space<vmem>> -> memref<1x112xi32, #tpu.memory_space<vmem>>
        %dma_wait3A_56 = tpu.memref_squeeze %dma_wait3A_55 : memref<1x112xi32, #tpu.memory_space<vmem>> -> memref<112xi32, #tpu.memory_space<vmem>>
        %dma_wait3A_57 = arith.constant 0 : i32
        %dma_wait3A_58 = arith.constant 0 : i32
        %dma_wait3A_59 = tpu.memref_slice %arg6[%dma_wait3A_57, %dma_wait3A_58] : memref<10240x128xf32, #tpu.memory_space<vmem_shared>> -> memref<10240x128xf32, #tpu.memory_space<vmem_shared>>
        tpu.wait_indirect_dma semaphore(%run_scoped3A_47 : memref<!tpu.dma_semaphore, #tpu.memory_space<semaphore_mem>>) src(%arg9 : memref<112x128xf32, #tpu.memory_space<vmem>>) dst(%dma_wait3A_59 : memref<10240x128xf32, #tpu.memory_space<vmem_shared>>)
        tpu.yield
      }) : () -> ()
      %add3A_37 = arith.constant 1 : i32
      %add3A_38 = arith.addi %add3A_24, %add3A_37 : i32
      %lt3A = arith.constant 90 : i32
      %lt3A_39 = arith.cmpi slt, %add3A_38, %lt3A : i32
      %convert_element_type3A = arith.extui %lt3A_39 : i1 to i32
      %cond3A = arith.constant 0 : i32
      %cond3A_40 = arith.cmpi ne, %convert_element_type3A, %cond3A : i32
      scf.if %cond3A_40 {
        %add3A_47 = arith.constant 1 : i32
        %add3A_48 = arith.addi %add3A_24, %add3A_47 : i32
        %dma_start3A_49 = arith.constant 0 : i32
        %dma_start3A_50 = tpu.memref_slice %arg7[%add3A_48, %dma_start3A_49] : memref<90x112xi32, #tpu.memory_space<vmem>> -> memref<1x112xi32, #tpu.memory_space<vmem>>
        %dma_start3A_51 = tpu.memref_squeeze %dma_start3A_50 : memref<1x112xi32, #tpu.memory_space<vmem>> -> memref<112xi32, #tpu.memory_space<vmem>>
        %dma_start3A_52 = arith.constant 0 : i32
        %dma_start3A_53 = arith.constant 0 : i32
        %dma_start3A_54 = tpu.memref_slice %arg2[%dma_start3A_52, %dma_start3A_53] : memref<10240x128xf32, #tpu.memory_space<hbm>> -> memref<10240x128xf32, #tpu.memory_space<hbm>>
        tpu.enqueue_indirect_dma source(%dma_start3A_54 : memref<10240x128xf32, #tpu.memory_space<hbm>>) target(%arg9 : memref<112x128xf32, #tpu.memory_space<vmem>>) offsets(%dma_start3A_51 : memref<112xi32, #tpu.memory_space<vmem>>) semaphore(%arg11 : memref<!tpu.dma_semaphore, #tpu.memory_space<semaphore_mem>>)
      } else {
      }
      %dma_wait3A_41 = arith.constant 0 : i32
      %dma_wait3A_42 = tpu.memref_slice %arg7[%add3A_24, %dma_wait3A_41] : memref<90x112xi32, #tpu.memory_space<vmem>> -> memref<1x112xi32, #tpu.memory_space<vmem>>
      %dma_wait3A_43 = tpu.memref_squeeze %dma_wait3A_42 : memref<1x112xi32, #tpu.memory_space<vmem>> -> memref<112xi32, #tpu.memory_space<vmem>>
      %dma_wait3A_44 = arith.constant 0 : i32
      %dma_wait3A_45 = arith.constant 0 : i32
      %dma_wait3A_46 = tpu.memref_slice %arg2[%dma_wait3A_44, %dma_wait3A_45] : memref<10240x128xf32, #tpu.memory_space<hbm>> -> memref<10240x128xf32, #tpu.memory_space<hbm>>
      tpu.wait_indirect_dma semaphore(%arg12 : memref<!tpu.dma_semaphore, #tpu.memory_space<semaphore_mem>>) src(%dma_wait3A_46 : memref<10240x128xf32, #tpu.memory_space<hbm>>) dst(%arg10 : memref<112x128xf32, #tpu.memory_space<vmem>>)
      "tpu.region"() ({
        %run_scoped3A_47 = tpu.sem_alloc : memref<!tpu.dma_semaphore, #tpu.memory_space<semaphore_mem>>
        %dma_start3A_48 = arith.constant 0 : i32
        %dma_start3A_49 = tpu.memref_slice %arg8[%add3A_24, %dma_start3A_48] : memref<90x112xi32, #tpu.memory_space<vmem>> -> memref<1x112xi32, #tpu.memory_space<vmem>>
        %dma_start3A_50 = tpu.memref_squeeze %dma_start3A_49 : memref<1x112xi32, #tpu.memory_space<vmem>> -> memref<112xi32, #tpu.memory_space<vmem>>
        %dma_start3A_51 = arith.constant 0 : i32
        %dma_start3A_52 = arith.constant 0 : i32
        %dma_start3A_53 = tpu.memref_slice %arg6[%dma_start3A_51, %dma_start3A_52] : memref<10240x128xf32, #tpu.memory_space<vmem_shared>> -> memref<10240x128xf32, #tpu.memory_space<vmem_shared>>
        tpu.enqueue_indirect_dma source(%arg10 : memref<112x128xf32, #tpu.memory_space<vmem>>) target(%dma_start3A_53 : memref<10240x128xf32, #tpu.memory_space<vmem_shared>>) offsets(%dma_start3A_50 : memref<112xi32, #tpu.memory_space<vmem>>) semaphore(%run_scoped3A_47 : memref<!tpu.dma_semaphore, #tpu.memory_space<semaphore_mem>>) {add = true}
        %dma_wait3A_54 = arith.constant 0 : i32
        %dma_wait3A_55 = tpu.memref_slice %arg8[%add3A_24, %dma_wait3A_54] : memref<90x112xi32, #tpu.memory_space<vmem>> -> memref<1x112xi32, #tpu.memory_space<vmem>>
        %dma_wait3A_56 = tpu.memref_squeeze %dma_wait3A_55 : memref<1x112xi32, #tpu.memory_space<vmem>> -> memref<112xi32, #tpu.memory_space<vmem>>
        %dma_wait3A_57 = arith.constant 0 : i32
        %dma_wait3A_58 = arith.constant 0 : i32
        %dma_wait3A_59 = tpu.memref_slice %arg6[%dma_wait3A_57, %dma_wait3A_58] : memref<10240x128xf32, #tpu.memory_space<vmem_shared>> -> memref<10240x128xf32, #tpu.memory_space<vmem_shared>>
        tpu.wait_indirect_dma semaphore(%run_scoped3A_47 : memref<!tpu.dma_semaphore, #tpu.memory_space<semaphore_mem>>) src(%arg10 : memref<112x128xf32, #tpu.memory_space<vmem>>) dst(%dma_wait3A_59 : memref<10240x128xf32, #tpu.memory_space<vmem_shared>>)
        tpu.yield
      }) : () -> ()
    }
    %scan3A_17 = arith.constant 45 : i32
    %barrier3A_18 = arith.constant 0 : index
    tpu.barrier barrier_id(%barrier3A_18)
    "tpu.region"() ({
      %run_scoped3A_19 = tpu.sem_alloc : memref<!tpu.dma_semaphore, #tpu.memory_space<semaphore_mem>>
      %dma_start3A_20 = arith.constant 0 : i32
      %dma_start3A_21 = tpu.memref_slice %arg5[%arg0, %multiple_of3A, %dma_start3A_20] : memref<2x10240x128xf32, #tpu.memory_space<hbm>> -> memref<1x640x128xf32, #tpu.memory_space<hbm>>
      %dma_start3A_22 = tpu.memref_squeeze %dma_start3A_21 : memref<1x640x128xf32, #tpu.memory_space<hbm>> -> memref<640x128xf32, #tpu.memory_space<hbm>>
      %dma_start3A_23 = arith.constant 0 : i32
      %dma_start3A_24 = tpu.memref_slice %arg6[%multiple_of3A, %dma_start3A_23] : memref<10240x128xf32, #tpu.memory_space<vmem_shared>> -> memref<640x128xf32, #tpu.memory_space<vmem_shared>>
      tpu.enqueue_dma source(%dma_start3A_24 : memref<640x128xf32, #tpu.memory_space<vmem_shared>>) target(%dma_start3A_22 : memref<640x128xf32, #tpu.memory_space<hbm>>) target_semaphore(%run_scoped3A_19 : memref<!tpu.dma_semaphore, #tpu.memory_space<semaphore_mem>>)
      %dma_wait3A_25 = arith.constant 0 : i32
      %dma_wait3A_26 = tpu.memref_slice %arg5[%arg0, %multiple_of3A, %dma_wait3A_25] : memref<2x10240x128xf32, #tpu.memory_space<hbm>> -> memref<1x640x128xf32, #tpu.memory_space<hbm>>
      %dma_wait3A_27 = tpu.memref_squeeze %dma_wait3A_26 : memref<1x640x128xf32, #tpu.memory_space<hbm>> -> memref<640x128xf32, #tpu.memory_space<hbm>>
      %dma_wait3A_28 = arith.constant 0 : i32
      %dma_wait3A_29 = tpu.memref_slice %arg6[%multiple_of3A, %dma_wait3A_28] : memref<10240x128xf32, #tpu.memory_space<vmem_shared>> -> memref<640x128xf32, #tpu.memory_space<vmem_shared>>
      tpu.wait_dma2 semaphore(%run_scoped3A_19 : memref<!tpu.dma_semaphore, #tpu.memory_space<semaphore_mem>>) src(%dma_wait3A_29 : memref<640x128xf32, #tpu.memory_space<vmem_shared>>) dst(%dma_wait3A_27 : memref<640x128xf32, #tpu.memory_space<hbm>>)
      tpu.yield
    }) : () -> ()
    return
  }
}

module attributes {stable_mosaic.version = 14 : i64} {
  func.func @_tc_scale_body(%arg0: memref<10000x128xf32, #tpu.memory_space<vmem>>, %arg1: memref<2x10240x16xf32, #tpu.memory_space<vmem>>, %arg2: memref<10240x128xf32, #tpu.memory_space<vmem>>) attributes {dimension_semantics = [], scalar_prefetch = 0 : i64, scratch_operands = 0 : i64, tpu.core_type = #tpu.core_type<tc>} {
    %get3A = arith.constant 0 : index
    %get3A_0 = arith.constant 0 : index
    %get3A_1 = arith.constant 0 : index
    %get3A_2 = vector.load %arg1[%get3A, %get3A_0, %get3A_1] : memref<2x10240x16xf32, #tpu.memory_space<vmem>>, vector<1x10240x16xf32>
    %get3A_3 = vector.shape_cast %get3A_2 : vector<1x10240x16xf32> to vector<10240x16xf32>
    %slice3A = vector.extract_strided_slice %get3A_3 {offsets = [0, 0], sizes = [10000, 1], strides = [1, 1]} : vector<10240x16xf32> to vector<10000x1xf32>
    %get3A_4 = arith.constant 1 : index
    %get3A_5 = arith.constant 0 : index
    %get3A_6 = arith.constant 0 : index
    %get3A_7 = vector.load %arg1[%get3A_4, %get3A_5, %get3A_6] : memref<2x10240x16xf32, #tpu.memory_space<vmem>>, vector<1x10240x16xf32>
    %get3A_8 = vector.shape_cast %get3A_7 : vector<1x10240x16xf32> to vector<10240x16xf32>
    %slice3A_9 = vector.extract_strided_slice %get3A_8 {offsets = [0, 0], sizes = [10000, 1], strides = [1, 1]} : vector<10240x16xf32> to vector<10000x1xf32>
    %add3A = arith.addf %slice3A, %slice3A_9 : vector<10000x1xf32>
    %gt3A = arith.constant 0.000000e+00 : f32
    %gt3A_10 = vector.broadcast %gt3A : f32 to vector<10000x1xf32>
    %gt3A_11 = arith.cmpf ogt, %add3A, %gt3A_10 : vector<10000x1xf32>
    %jit3A = arith.constant 1.000000e+00 : f32
    %broadcast_in_dim3A = vector.broadcast %jit3A : f32 to vector<10000x1xf32>
    %select_n3A = arith.select %gt3A_11, %add3A, %broadcast_in_dim3A : vector<10000x1xi1>, vector<10000x1xf32>
    %rsqrt3A = math.rsqrt %select_n3A : vector<10000x1xf32>
    %get3A_12 = arith.constant 0 : index
    %get3A_13 = arith.constant 0 : index
    %get3A_14 = vector.load %arg0[%get3A_12, %get3A_13] : memref<10000x128xf32, #tpu.memory_space<vmem>>, vector<10000x128xf32>
    %mul3A = vector.broadcast %rsqrt3A : vector<10000x1xf32> to vector<10000x128xf32>
    %mul3A_15 = arith.mulf %get3A_14, %mul3A : vector<10000x128xf32>
    %broadcast_in_dim3A_16 = arith.constant 0.000000e+00 : f32
    %broadcast_in_dim3A_17 = vector.broadcast %broadcast_in_dim3A_16 : f32 to vector<240x128xf32>
    %concatenate3A = tpu.concatenate %mul3A_15, %broadcast_in_dim3A_17 in 0 : vector<10000x128xf32>, vector<240x128xf32> -> vector<10240x128xf32>
    %swap3A = arith.constant 0 : index
    %swap3A_18 = arith.constant 0 : index
    %swap3A_19 = vector.load %arg2[%swap3A, %swap3A_18] : memref<10240x128xf32, #tpu.memory_space<vmem>>, vector<10240x128xf32>
    tpu.vector_store %arg2[%swap3A, %swap3A_18], %concatenate3A {strides = array<i32>} : memref<10240x128xf32, #tpu.memory_space<vmem>>, vector<10240x128xf32>,
    return
  }
}

module attributes {stable_mosaic.version = 14 : i64} {
  func.func @_tc_final_body(%arg0: memref<2x10240x128xf32, #tpu.memory_space<vmem>>, %arg1: memref<2x10240x16xf32, #tpu.memory_space<vmem>>, %arg2: memref<10000x128xf32, #tpu.memory_space<vmem>>, %arg3: memref<128x128xf32, #tpu.memory_space<vmem>>, %arg4: memref<1x128xf32, #tpu.memory_space<vmem>>, %arg5: memref<1x128xf32, #tpu.memory_space<vmem>>, %arg6: memref<1x128xf32, #tpu.memory_space<vmem>>, %arg7: memref<10000x128xf32, #tpu.memory_space<vmem>>) attributes {dimension_semantics = [], scalar_prefetch = 0 : i64, scratch_operands = 0 : i64, tpu.core_type = #tpu.core_type<tc>} {
    %get3A = arith.constant 0 : index
    %get3A_0 = arith.constant 0 : index
    %get3A_1 = arith.constant 0 : index
    %get3A_2 = vector.load %arg0[%get3A, %get3A_0, %get3A_1] : memref<2x10240x128xf32, #tpu.memory_space<vmem>>, vector<1x10240x128xf32>
    %get3A_3 = vector.shape_cast %get3A_2 : vector<1x10240x128xf32> to vector<10240x128xf32>
    %slice3A = vector.extract_strided_slice %get3A_3 {offsets = [0, 0], sizes = [10000, 128], strides = [1, 1]} : vector<10240x128xf32> to vector<10000x128xf32>
    %get3A_4 = arith.constant 1 : index
    %get3A_5 = arith.constant 0 : index
    %get3A_6 = arith.constant 0 : index
    %get3A_7 = vector.load %arg0[%get3A_4, %get3A_5, %get3A_6] : memref<2x10240x128xf32, #tpu.memory_space<vmem>>, vector<1x10240x128xf32>
    %get3A_8 = vector.shape_cast %get3A_7 : vector<1x10240x128xf32> to vector<10240x128xf32>
    %slice3A_9 = vector.extract_strided_slice %get3A_8 {offsets = [0, 0], sizes = [10000, 128], strides = [1, 1]} : vector<10240x128xf32> to vector<10000x128xf32>
    %add3A = arith.addf %slice3A, %slice3A_9 : vector<10000x128xf32>
    %get3A_10 = arith.constant 0 : index
    %get3A_11 = arith.constant 0 : index
    %get3A_12 = arith.constant 0 : index
    %get3A_13 = vector.load %arg1[%get3A_10, %get3A_11, %get3A_12] : memref<2x10240x16xf32, #tpu.memory_space<vmem>>, vector<1x10240x16xf32>
    %get3A_14 = vector.shape_cast %get3A_13 : vector<1x10240x16xf32> to vector<10240x16xf32>
    %slice3A_15 = vector.extract_strided_slice %get3A_14 {offsets = [0, 0], sizes = [10000, 1], strides = [1, 1]} : vector<10240x16xf32> to vector<10000x1xf32>
    %get3A_16 = arith.constant 1 : index
    %get3A_17 = arith.constant 0 : index
    %get3A_18 = arith.constant 0 : index
    %get3A_19 = vector.load %arg1[%get3A_16, %get3A_17, %get3A_18] : memref<2x10240x16xf32, #tpu.memory_space<vmem>>, vector<1x10240x16xf32>
    %get3A_20 = vector.shape_cast %get3A_19 : vector<1x10240x16xf32> to vector<10240x16xf32>
    %slice3A_21 = vector.extract_strided_slice %get3A_20 {offsets = [0, 0], sizes = [10000, 1], strides = [1, 1]} : vector<10240x16xf32> to vector<10000x1xf32>
    %add3A_22 = arith.addf %slice3A_15, %slice3A_21 : vector<10000x1xf32>
    %gt3A = arith.constant 0.000000e+00 : f32
    %gt3A_23 = vector.broadcast %gt3A : f32 to vector<10000x1xf32>
    %gt3A_24 = arith.cmpf ogt, %add3A_22, %gt3A_23 : vector<10000x1xf32>
    %jit3A = arith.constant 1.000000e+00 : f32
    %broadcast_in_dim3A = vector.broadcast %jit3A : f32 to vector<10000x1xf32>
    %select_n3A = arith.select %gt3A_24, %add3A_22, %broadcast_in_dim3A : vector<10000x1xi1>, vector<10000x1xf32>
    %rsqrt3A = math.rsqrt %select_n3A : vector<10000x1xf32>
    %mul3A = vector.broadcast %rsqrt3A : vector<10000x1xf32> to vector<10000x128xf32>
    %mul3A_25 = arith.mulf %add3A, %mul3A : vector<10000x128xf32>
    %get3A_26 = arith.constant 0 : index
    %get3A_27 = arith.constant 0 : index
    %get3A_28 = vector.load %arg3[%get3A_26, %get3A_27] : memref<128x128xf32, #tpu.memory_space<vmem>>, vector<128x128xf32>
    %dot_general3A = arith.constant dense<0.000000e+00> : vector<10000x128xf32>
    %dot_general3A_29 = tpu.matmul %mul3A_25, %get3A_28, %dot_general3A {dimension_numbers = #tpu.dot_dimension_numbers<[1], [0], [0], [1], [0, 0, 1, 1], [], []>, transpose_lhs_hint = false} : vector<10000x128xf32>, vector<128x128xf32>, vector<10000x128xf32> -> vector<10000x128xf32>
    %get3A_30 = arith.constant 0 : index
    %get3A_31 = arith.constant 0 : index
    %get3A_32 = vector.load %arg4[%get3A_30, %get3A_31] : memref<1x128xf32, #tpu.memory_space<vmem>>, vector<1x128xf32>
    %add3A_33 = vector.broadcast %get3A_32 : vector<1x128xf32> to vector<10000x128xf32>
    %add3A_34 = arith.addf %dot_general3A_29, %add3A_33 : vector<10000x128xf32>
    %reduce_sum3A = arith.constant dense<0.000000e+00> : vector<128xf32>
    %reduce_sum3A_35 = vector.multi_reduction <add>, %add3A_34, %reduce_sum3A [0] : vector<10000x128xf32> to vector<128xf32>
    %broadcast_in_dim3A_36 = vector.shape_cast %reduce_sum3A_35 : vector<128xf32> to vector<1x128xf32>
    %div3A = arith.constant 1.000000e+04 : f32
    %div3A_37 = vector.broadcast %div3A : f32 to vector<1x128xf32>
    %div3A_38 = arith.divf %broadcast_in_dim3A_36, %div3A_37 : vector<1x128xf32>
    %sub3A = vector.broadcast %div3A_38 : vector<1x128xf32> to vector<10000x128xf32>
    %sub3A_39 = arith.subf %add3A_34, %sub3A : vector<10000x128xf32>
    %mul3A_40 = arith.mulf %sub3A_39, %sub3A_39 : vector<10000x128xf32>
    %reduce_sum3A_41 = arith.constant dense<0.000000e+00> : vector<128xf32>
    %reduce_sum3A_42 = vector.multi_reduction <add>, %mul3A_40, %reduce_sum3A_41 [0] : vector<10000x128xf32> to vector<128xf32>
    %broadcast_in_dim3A_43 = vector.shape_cast %reduce_sum3A_42 : vector<128xf32> to vector<1x128xf32>
    %div3A_44 = arith.constant 1.000000e+04 : f32
    %div3A_45 = vector.broadcast %div3A_44 : f32 to vector<1x128xf32>
    %div3A_46 = arith.divf %broadcast_in_dim3A_43, %div3A_45 : vector<1x128xf32>
    %add3A_47 = arith.constant 9.99999974E-6 : f32
    %add3A_48 = vector.broadcast %add3A_47 : f32 to vector<1x128xf32>
    %add3A_49 = arith.addf %div3A_46, %add3A_48 : vector<1x128xf32>
    %rsqrt3A_50 = math.rsqrt %add3A_49 : vector<1x128xf32>
    %mul3A_51 = vector.broadcast %rsqrt3A_50 : vector<1x128xf32> to vector<10000x128xf32>
    %mul3A_52 = arith.mulf %sub3A_39, %mul3A_51 : vector<10000x128xf32>
    %get3A_53 = arith.constant 0 : index
    %get3A_54 = arith.constant 0 : index
    %get3A_55 = vector.load %arg5[%get3A_53, %get3A_54] : memref<1x128xf32, #tpu.memory_space<vmem>>, vector<1x128xf32>
    %mul3A_56 = vector.broadcast %get3A_55 : vector<1x128xf32> to vector<10000x128xf32>
    %mul3A_57 = arith.mulf %mul3A_52, %mul3A_56 : vector<10000x128xf32>
    %get3A_58 = arith.constant 0 : index
    %get3A_59 = arith.constant 0 : index
    %get3A_60 = vector.load %arg6[%get3A_58, %get3A_59] : memref<1x128xf32, #tpu.memory_space<vmem>>, vector<1x128xf32>
    %add3A_61 = vector.broadcast %get3A_60 : vector<1x128xf32> to vector<10000x128xf32>
    %add3A_62 = arith.addf %mul3A_57, %add3A_61 : vector<10000x128xf32>
    %max3A = arith.constant 0.000000e+00 : f32
    %max3A_63 = vector.broadcast %max3A : f32 to vector<10000x128xf32>
    %max3A_64 = arith.maximumf %add3A_62, %max3A_63 : vector<10000x128xf32>
    %get3A_65 = arith.constant 0 : index
    %get3A_66 = arith.constant 0 : index
    %get3A_67 = vector.load %arg2[%get3A_65, %get3A_66] : memref<10000x128xf32, #tpu.memory_space<vmem>>, vector<10000x128xf32>
    %add3A_68 = arith.addf %max3A_64, %get3A_67 : vector<10000x128xf32>
    %swap3A = arith.constant 0 : index
    %swap3A_69 = arith.constant 0 : index
    %swap3A_70 = vector.load %arg7[%swap3A, %swap3A_69] : memref<10000x128xf32, #tpu.memory_space<vmem>>, vector<10000x128xf32>
    tpu.vector_store %arg7[%swap3A, %swap3A_69], %add3A_68 {strides = array<i32>} : memref<10000x128xf32, #tpu.memory_space<vmem>>, vector<10000x128xf32>,
    return
  }
}

</mosaic_0001>

<sc_bundles>
// kernel: kernel.6.cloned.1.call-start
scs
__scs_entry_jumppad:
0x0: {  	(pc) =	sbr.rel $0x88, $3  }
0x1: {  	(tag) =	ssettag $0x0;
	lr =	simm.s32 $0x1  }
0x2: {  	[smem:$0x3F9B] =	sst lr;
	_ =	strace $0xD0000000  }
0x3: {  	_ = 	snop  }
0x4: {  	_ = 	snop  }
0x5: {  	_ = 	snop  }
0x6: {  	_ = 	snop  }
0x7: {  	_ = 	snop  }
__scs_overlays_trampoline_lowered:
0x8: {  	[smem:$0x3FAA] =	sst s0  }
0x9: {  	[smem:$0x3FAB] =	sst s1  }
0xa: {  	[smem:$0x3FAC] =	sst s2  }
0xb: {  	[smem:$0x3FAD] =	sst s3  }
0xc: {  	[smem:$0x3FAE] =	sst s4  }
0xd: {  	[smem:$0x3FAF] =	sst s5  }
0xe: {  	[smem:$0x3FB0] =	sst s6  }
0xf: {  	[smem:$0x3FB1] =	sst s7  }
0x10: {  	[smem:$0x3FB2] =	sst s8  }
0x11: {  	[smem:$0x3FB3] =	sst s9;
	s0 =	simm.s32 @!p0 $0x0  }
0x12: {  	s1 =	sld [smem:$0x3F99];
	s0 =	simm.s32 @p0 $0x1  }
0x13: {  	[smem:$0x3FB4] =	sst s0;
	s0 =	simm.s32 @!p1 $0x0  }
0x14: {  	s2 =	sld [smem:$0x3F98];
	s0 =	simm.s32 @p1 $0x1  }
0x15: {  	[smem:$0x3FB5] =	sst s0;
	s0 =	simm.s32 @!p2 $0x0  }
0x16: {  	s3 =	sld [smem:$0x3FDB];
	s0 =	simm.s32 @p2 $0x1  }
0x17: {  	s4 =	simm.s32 $0x1BF5;
	[smem:$0x3FB7] =	sst s0  }
0x18: {  	s0 =	sld [smem:$0x3F9A];
	_ =	swait.ge [sflag:s4], $0x0  }
0x19: {  	s7 =	sld [smem:$0x3F9B]  }
0x1a: {  	s8 =	sadd.s32 $0xFFFFE003, lr  }
0x1b: {  	s9 =	sadd.s32 $0xFFFFFEF7, lr;
	s5 =	simm.s32 $0xFFFFFFFF;
	p2 =	slt.u32 s8, $0xFFFFF086  }
0x1c: {  	p1 =	slt.u32 s9, $0xF7A;
	s5 =	simm.s32 @!p2 $0x0  }
0x1d: {  	s5 =	simm.s32 @p1 $0x1;
	p0 =	seq.s32 s7, s2  }
0x1e: {  	s7 =	smul.u32 @!p0 $0xF7A, s2;
	p2 =	seq.s32 @!p0 s5, $0x0  }
0x1f: {  	s9 =	smul.u32 $0xF7A, s1;
	s8 =	simm.s32 @!p0 $0x1BF5;
	p2 =	por !p2, p0  }
0x20: {  	[sflag:s8] =	ssyncset.s32 @!p0 $0xFFFFF086;
	s6 =	sadd.s32 @!p0 s3, s7;
	s7 =	simm.s32 @!p0 $0x108  }
0x21: {  	s3 =	sadd.s32 s3, s9;
	s6 =	sadd.s32 @!p0 $0x88, s6;
	s7 =	simm.s32 @p2 $0x1082  }
0x22: {  	[simem:s7], [sflag:s8] =	dma.local @!p0 [hbm:s6], $0xF7A  }
0x23: {  	s9 =	sor.u32 $0xD0000000, s2;
	s6 =	simm.s32 $0x108;
	_ =	swait.ge @!p0 [sflag:s8], $0x0  }
0x24: {  	s3 =	sadd.s32 $0x88, s3;
	s6 =	simm.s32 @!p1 $0x1082;
	[sflag:s4] =	ssyncset.s32 $0xFFFFF086  }
0x25: {  	[simem:s6], [sflag:s4] =	dma.local [hbm:s3], $0xF7A  }
0x26: {  	[smem:$0x3F9B] =	sst s1;
	(tag) =	ssettag s2;
	_ =	strace s9  }
0x27: {  	s1 =	sld [smem:$0x3FAB]  }
0x28: {  	s2 =	sld [smem:$0x3FAC]  }
0x29: {  	s4 =	sld [smem:$0x3FAE]  }
0x2a: {  	p0 =	seq.s32 s5, $0x0;
	s5 =	sld [smem:$0x3FAF]  }
0x2b: {  	s6 =	sld [smem:$0x3FB0]  }
0x2c: {  	s7 =	sld [smem:$0x3FB1]  }
0x2d: {  	s3 =	simm.s32 $0x108;
	s8 =	sld [smem:$0x3FB2]  }
0x2e: {  	s3 =	simm.s32 @!p0 $0x1082;
	s9 =	sld [smem:$0x3FB3]  }
0x2f: {  	lr =	sadd.s32 s0, s3;
	s0 =	sld [smem:$0x3FAA]  }
0x30: {  	s3 =	sld [smem:$0x3FAD]  }
0x31: {  	[smem:$0x3FB6] =	sst s10  }
0x32: {  	s10 =	sld [smem:$0x3FB4];
	_ =	sdelay $0x3  }
0x33: {  	p0 =	seq.s32 s10, $0x1;
	s10 =	sld [smem:$0x3FB6];
	_ =	sdelay $0x3  }
0x34: {  	[smem:$0x3FB6] =	sst s10  }
0x35: {  	s10 =	sld [smem:$0x3FB5];
	_ =	sdelay $0x3  }
0x36: {  	p1 =	seq.s32 s10, $0x1;
	s10 =	sld [smem:$0x3FB6];
	_ =	sdelay $0x3  }
0x37: {  	[smem:$0x3FB6] =	sst s10  }
0x38: {  	s10 =	sld [smem:$0x3FB7]  }
0x39: {  	_ = 	snop;
	(pc) =	sbr.ind lr, $3  }
0x3a: {  	_ = 	snop  }
0x3b: {  	_ = 	snop  }
0x3c: {  	p2 =	seq.s32 s10, $0x1;
	s10 =	sld [smem:$0x3FB6]  }
0x3d: {  	_ =	shalt  }
0x3e: {  	_ =	shalt  }
0x3f: {  	_ =	shalt  }
0x40: {  	_ =	shalt  }
0x41: {  	_ =	shalt  }
0x42: {  	_ =	shalt  }
0x43: {  	_ =	shalt  }
0x44: {  	_ =	shalt  }
0x45: {  	_ =	shalt  }
0x46: {  	_ =	shalt  }
0x47: {  	_ =	shalt  }
0x48: {  	_ =	shalt  }
0x49: {  	_ =	shalt  }
0x4a: {  	_ =	shalt  }
0x4b: {  	_ =	shalt  }
0x4c: {  	_ =	shalt  }
0x4d: {  	_ =	shalt  }
0x4e: {  	_ =	shalt  }
0x4f: {  	_ =	shalt  }
0x50: {  	_ =	shalt  }
0x51: {  	_ =	shalt  }
0x52: {  	_ =	shalt  }
0x53: {  	_ =	shalt  }
0x54: {  	_ =	shalt  }
0x55: {  	_ =	shalt  }
0x56: {  	_ =	shalt  }
0x57: {  	_ =	shalt  }
0x58: {  	_ =	shalt  }
0x59: {  	_ =	shalt  }
0x5a: {  	_ =	shalt  }
0x5b: {  	_ =	shalt  }
0x5c: {  	_ =	shalt  }
0x5d: {  	_ =	shalt  }
0x5e: {  	_ =	shalt  }
0x5f: {  	_ =	shalt  }
0x60: {  	_ =	shalt  }
0x61: {  	_ =	shalt  }
0x62: {  	_ =	shalt  }
0x63: {  	_ =	shalt  }
0x64: {  	_ =	shalt  }
0x65: {  	_ =	shalt  }
0x66: {  	_ =	shalt  }
0x67: {  	_ =	shalt  }
0x68: {  	_ =	shalt  }
0x69: {  	_ =	shalt  }
0x6a: {  	_ =	shalt  }
0x6b: {  	_ =	shalt  }
0x6c: {  	_ =	shalt  }
0x6d: {  	_ =	shalt  }
0x6e: {  	_ =	shalt  }
0x6f: {  	_ =	shalt  }
0x70: {  	_ =	shalt  }
0x71: {  	_ =	shalt  }
0x72: {  	_ =	shalt  }
0x73: {  	_ =	shalt  }
0x74: {  	_ =	shalt  }
0x75: {  	_ =	shalt  }
0x76: {  	_ =	shalt  }
0x77: {  	_ =	shalt  }
0x78: {  	_ =	shalt  }
0x79: {  	_ =	shalt  }
0x7a: {  	_ =	shalt  }
0x7b: {  	_ =	shalt  }
0x7c: {  	_ =	shalt  }
0x7d: {  	_ =	shalt  }
0x7e: {  	_ =	shalt  }
0x7f: {  	_ =	shalt  }
0x80: {  	_ =	shalt  }
0x81: {  	_ =	shalt  }
0x82: {  	_ =	shalt  }
0x83: {  	_ =	shalt  }
0x84: {  	_ =	shalt  }
0x85: {  	_ =	shalt  }
0x86: {  	_ =	shalt  }
0x87: {  	_ =	shalt  }
.Lfunc_end0:
.L_simem_size_0:
called_computation_lowered:
.L_overlay_start_0:
0x88: {  	s2 =	sld [smem:$0x3FD9]  }
0x89: {  	s3 =	sld [smem:$0x3FFE];
	_ =	sdelay $0x1  }
0x8a: {  	s1 =	srdreg.scid  }
0x8b: {  	s0 =	sand.u32 $0x1, s1  }
0x8c: {  	s17 =	sshll.u32 s0, $0xA;
	s2 =	sadd.s32 s3, s2  }
0x8d: {  	s2 =	sadd.s32 s2, s17  }
0x8e: {  	[smem:$0x3FC2] =	sst s2  }
0x8f: {  	_ = 	snop  }
0x90: {  	s2 =	sld [smem:$0x3FD0];
	(tm) =	ssettm $0x1  }
0x91: {  	s18 =	sld [smem:$0x3FFB];
	_ =	sdelay $0x3  }
0x92: {  	_ =	strace s18  }
0x93: {  	s3 =	sld [smem:$0x3FFC];
	_ =	sdelay $0x3  }
0x94: {  	_ =	strace s3  }
0x95: {  	s3 =	sld [smem:$0x3FFD];
	_ =	sdelay $0x3  }
0x96: {  	_ =	strace s3  }
0x97: {  	_ =	strace $0x8FFFFFFF  }
0x98: {  	s19 =	sld [smem:$0x3FDB];
	_ =	sdelay $0x1  }
0x99: {  	s4 =	simm.s32 $_scs_section_size  }
0x9a: {  	s5 =	simm.s32 $_size__tile_overlayer_lowered;
	s6 =	simm.s32 $_tile_overlayer_lowered  }
0x9b: {  	s22 =	simm.s32 $0x1BFF;
	s21 =	sshll.u32 s6, $0x1;
	s3 =	sadd.s32 s4, s19  }
0x9c: {  	s7 =	simm.s32 $0x0;
	s20 =	sshll.u32 s5, $0x1;
	s5 =	sadd.s32 s21, s3  }
0x9d: {  	[timem:s7], [sflag:s22] =	dma.local [hbm:s5], s20  }
0x9e: {  	_ =	swait.ge [sflag:s22], s20  }
0x9f: {  	s4 =	ssub.s32 $0x0, s20;
	[sflag:s22] =	ssyncset.done $0x0  }
0xa0: {  	[sflag:s22] =	ssyncadd.s32 s4;
	_ =	sdelay $0x1  }
0xa1: {  	s23 =	simm.s32 $0x1B8B  }
0xa2: {  	_ =	swait.ge [sflag:s23], $0x1  }
0xa3: {  	[sflag:s23] =	ssyncset.done $0x0  }
0xa4: {  	s25 =	simm.s32 $0x1B8E;
	s24 =	sld [smem:$0x3FFE];
	[sflag:s23] =	ssyncadd.s32 $0xFFFFFFFF  }
0xa5: {  	s26 =	simm.s32 $execute0_lowered;
	[smem:$0x3FD2] =	sst s25  }
0xa6: {  	s5 =	sshll.u32 s26, $0x1;
	_ =	strace $0x80000046;
	[dreg:$0x1] =	wrdreg $0xFFFFFFFF  }
0xa7: {  	s28 =	simm.s32 $_size_execute0_lowered;
	s3 =	sadd.s32 s3, s5;
	[dreg:$0x0] =	wrdreg $0x0  }
0xa8: {  	s5 =	sshll.u32 s28, $0x1;
	[dreg:$0x2] =	wrdreg s3  }
0xa9: {  	[dreg:$0x3] =	wrdreg s5  }
0xaa: {  	[dreg:$0x4] =	wrdreg $0xC0  }
0xab: {  	_ =	task [dreg:s7], $0x5FFFF  }
0xac: {  	[dreg:$0x1] =	wrdreg $0xFFFFFFFF  }
0xad: {  	[dreg:$0x0] =	wrdreg $0x60  }
0xae: {  	[dreg:$0x2] =	wrdreg s2  }
0xaf: {  	[dreg:$0x3] =	wrdreg s24  }
0xb0: {  	[dreg:$0x4] =	wrdreg $0x0  }
0xb1: {  	[dreg:$0x5] =	wrdreg $0x28000  }
0xb2: {  	[dreg:$0x6] =	wrdreg $0x9  }
0xb3: {  	_ =	task.clear_ibuf [dreg:s7], $0x7FFFF;
	_ =	strace $0x90000046  }
0xb4: {  	s29 =	simm.s32 $0x9;
	_ =	strace $0x80000048  }
0xb5: {  	_ =	swait.ge [sflag:s29], $0x1  }
0xb6: {  	[sflag:s29] =	ssyncadd.s32 $0xFFFFFFFF  }
0xb7: {  	_ =	strace $0x90000048  }
0xb8: {  	_ =	sfence  }
0xb9: {  	s30 =	sld [smem:$0x0];
	_ =	sdelay $0x2  }
0xba: {  	s31 =	sshll.u32 s1, $0xD;
	s1 =	sshrl.u32 s1, $0x2  }
0xbb: {  	s3 =	sand.u32 $0x4000, s31;
	s1 =	sadd.s32 s1, s30  }
0xbc: {  	s0 =	sor.u32 s3, s0;
	s1 =	sshll.u32 s1, $0x11  }
0xbd: {  	s0 =	sor.u32 s1, s0  }
0xbe: {  	s0 =	sadd.s32 $0x8F2B, s0  }
0xbf: {  	[sflag:s0] =	ssyncadd.remote.s32 $0x1  }
0xc0: {  	_ =	sfence.sel $0xFFFF  }
0xc1: {  	[dreg:$0x0] =	wrdreg $0xFFFFFFFF;
	(pc) =	sbr.abs _section_cstart, $3  }
0xc2: {  	[dreg:$0x1] =	wrdreg $0xFFFFFFFF  }
0xc3: {  	_ =	task.clear_ibuf [dreg:s7], $0x2FFFF;
	_ =	strace $0x9FFFFFFF  }
0xc4: {  	(tm) =	ssettm $0x7FFFFFFF  }
0xc5: {  	_ =	shalt  }
tec
execute0_lowered:
.L_overlay_start_1:
0x0: {  	(tag) =	ssettag $0x1  }
0x1: {  	s8 =	rddreg [dreg:$0x0]  }
0x2: {  	s7 =	rddreg [dreg:$0x1]  }
0x3: {  	s2 =	rddreg [dreg:$0x2]  }
0x4: {  	s3 =	rddreg [dreg:$0x3]  }
0x5: {  	s0 =	rddreg [dreg:$0x4]  }
0x6: {  	s5 =	srdreg.scid;
	s1 =	stileid.u32  }
0x7: {  	s4 =	simm.s32 $0x0;
	s17 =	simm.s32 $0x4;
	s18 =	simm.s32 $0x3  }
0x8: {  	s19 =	simm.s32 $0x70;
	s20 =	simm.s32 $0x1;
	s21 =	simm.s32 $0x2  }
0x9: {  	s22 =	simm.s32 $0x0;
	s6 =	sand.u32 $0x1, s5;
	s10 =	smul.u32 $0x2800, s1  }
0xa: {  	[smem:$0x7FF] =	sst s4;
	s5 =	sadd.s32 $0x2800, s7;
	s9 =	smul.u32 $0x28000, s6  }
0xb: {  	s11 =	sshll.u32 s6, $0x4;
	_ =	strace $0x80000047;
	s12 =	ssub.s32 $0x2, s6  }
0xc: {  	s6 =	sadd.s32 $0x2200, s7;
	s11 =	sor.u32 s1, s11;
	s13 =	sshrl.u32 s12, $0x1  }
0xd: {  	s15 =	sadd.s32 s10, s2;
	s9 =	sadd.s32 s10, s9;
	s11 =	smul.u32 $0x2760, s11  }
0xe: {  	s16 =	sadd.s32 s10, s3;
	s13 =	ssub.s32 s12, s13;
	s9 =	sshrl.u32 s9, $0x3  }
0xf: {  	s14 =	sadd.s32 s9, s7;
	s31 =	sshrl.u32 s11, $0x3;
	s7 =	sshll.u32 s1, $0x6  }
0x10: {  	s13 =	smax.u32 s13, $0x1;
	s8 =	sadd.s32 s8, s31;
	s9 =	sor.u32 $0x1C03, s7  }
0x11: {  	s11 =	sadd.s32 $0x2A00, s14;
	s12 =	sadd.s32 $0xCA00, s14;
	s14 =	sshrl.u32 s15, $0x3  }
0x12: {  	s15 =	sshrl.u32 s16, $0x3;
	s16 =	simm.s32 $0x5000;
	s10 =	sadd.s32 $0x9D80, s8  }
.LBB2_1:
0x13: {  	[spmem:s14], [sflag:s9] =	dma.local [hbm:s6], $0x500  }
0x14: {  	[spmem:s15], [sflag:s9] =	dma.local [hbm:s6], $0x500  }
0x15: {  	[tilespmem:s16], [sflag:$0x4] =	stream.linear.gather [hbm4b:s5+s4], $0x700, $0x38;
	[tilespmem:$0xA5C0] =	vst v63  }
0x16: {  	_ =	swait.ge [sflag:s17], $0x700  }
0x17: {  	[sflag:s17] =	ssyncset.done $0x0  }
0x18: {  	s24 =	simm.s32 $0x5700;
	[sflag:s17] =	ssyncadd.s32 $0xFFFFF900  }
0x19: {  	[tilespmem:s24], [sflag:$0x4] =	stream.linear.gather [hbm4b:s8+s4], $0x2760, $0x38;
	[tilespmem:$0xA5C0] =	vst v63  }
0x1a: {  	_ =	swait.ge [sflag:s17], $0x2760  }
0x1b: {  	[sflag:s17] =	ssyncset.done $0x0  }
0x1c: {  	s23 =	simm.s32 $0x7E60;
	[sflag:s17] =	ssyncadd.s32 $0xFFFFD8A0  }
0x1d: {  	[tilespmem:s23], [sflag:$0x4] =	stream.linear.gather [hbm4b:s10+s4], $0x2760, $0x38;
	[tilespmem:$0xA5C0] =	vst v63  }
0x1e: {  	_ =	swait.ge [sflag:s17], $0x2760  }
0x1f: {  	[sflag:s17] =	ssyncset.done $0x0  }
0x20: {  	[sflag:s17] =	ssyncadd.s32 $0xFFFFD8A0  }
0x21: {  	_ =	swait.ge [sflag:s18], $0x500  }
0x22: {  	[sflag:s18] =	ssyncset.done $0x0  }
0x23: {  	[sflag:s18] =	ssyncadd.s32 $0xFFFFFB00  }
0x24: {  	_ =	swait.ge [sflag:s18], $0x500  }
0x25: {  	[sflag:s18] =	ssyncset.done $0x0  }
0x26: {  	[sflag:s18] =	ssyncadd.s32 $0xFFFFFB00  }
0x27: {  	p0 =	por $0x1, $0x1;
	[bflag:$0x0] =	sbarrier.arrive $0xFFFF  }
0x28: {  	[spmem:s2] =	stream.indirect.scatter.add.f32 [tilespmem:s16], [sflag:$0x1], $0x10, s24, s19, $0xb8;
	[tilespmem:$0xA5C0] =	vst v63  }
0x29: {  	s24 =	simm.s32 @!p0 $0x1  }
0x2a: {  	[spmem:s3] =	stream.indirect.scatter.add.f32 [tilespmem:s16], [sflag:$0x2], $0x10, s23, s19, $0xb8;
	[tilespmem:$0xA5C0] =	vst v63  }
0x2b: {  	_ =	swait.ge @!p0 [sflag:s24], $0x700  }
0x2c: {  	[sflag:s24] =	ssyncset.done @!p0 $0x0  }
0x2d: {  	s26 =	simm.s32 @!p0 $0x2;
	[sflag:s24] =	ssyncadd.s32 @!p0 $0xFFFFF900  }
0x2e: {  	s25 =	simm.s32 $0x5770;
	s24 =	simm.s32 $0x1;
	_ =	swait.ge @!p0 [sflag:s26], $0x700  }
.LBB2_2:
0x2f: {  	[sflag:s26] =	ssyncset.done @!p0 $0x0  }
0x30: {  	s23 =	sadd.s32 $0x70, s23;
	s28 =	smov.u32 s24;
	s24 =	sadd.s32 $0x1, s24  }
0x31: {  	p1 =	sne.s32 s24, $0x5A;
	[sflag:s26] =	ssyncadd.s32 @!p0 $0xFFFFF900  }
0x32: {  	[spmem:s2] =	stream.indirect.scatter.add.f32 [tilespmem:s16], [sflag:$0x1], $0x10, s25, s19, $0xb8;
	[tilespmem:$0xA5C0] =	vst v63  }
0x33: {  	p0 =	slt.u32 s28, $0x8  }
0x34: {  	[spmem:s3] =	stream.indirect.scatter.add.f32 [tilespmem:s16], [sflag:$0x2], $0x10, s23, s19, $0xb8;
	[tilespmem:$0xA5C0] =	vst v63  }
.Ltmp0:
0x35: {  	s28 =	simm.s32 @!p0 $0x1;
	(pc) =	sbr.rel @p1 .LBB2_2-.Ltmp0, $4  }
0x36: {  	_ =	swait.ge @!p0 [sflag:s28], $0x700  }
0x37: {  	s26 =	simm.s32 @!p0 $0x2;
	[sflag:s28] =	ssyncset.done @!p0 $0x0  }
0x38: {  	[sflag:s28] =	ssyncadd.s32 @!p0 $0xFFFFF900  }
0x39: {  	s25 =	sadd.s32 $0x70, s25;
	_ =	swait.ge @!p0 [sflag:s26], $0x700  }
0x3a: {  	[sflag:s26] =	ssyncset.done @!p0 $0x0  }
0x3b: {  	[sflag:s26] =	ssyncadd.s32 @!p0 $0xFFFFF900  }
0x3c: {  	_ =	swait.ge [sflag:s20], $0x700  }
0x3d: {  	[sflag:s20] =	ssyncset.done $0x0  }
0x3e: {  	[sflag:s20] =	ssyncadd.s32 $0xFFFFF900  }
0x3f: {  	_ =	swait.ge [sflag:s21], $0x700  }
0x40: {  	[sflag:s21] =	ssyncset.done $0x0  }
0x41: {  	[sflag:s21] =	ssyncadd.s32 $0xFFFFF900  }
0x42: {  	_ =	swait.ge [sflag:s20], $0x700  }
0x43: {  	[sflag:s20] =	ssyncset.done $0x0  }
0x44: {  	[sflag:s20] =	ssyncadd.s32 $0xFFFFF900  }
0x45: {  	_ =	swait.ge [sflag:s21], $0x700  }
0x46: {  	[sflag:s21] =	ssyncset.done $0x0  }
0x47: {  	[sflag:s21] =	ssyncadd.s32 $0xFFFFF900  }
0x48: {  	_ =	swait.ge [sflag:s20], $0x700  }
0x49: {  	[sflag:s20] =	ssyncset.done $0x0  }
0x4a: {  	[sflag:s20] =	ssyncadd.s32 $0xFFFFF900  }
0x4b: {  	_ =	swait.ge [sflag:s21], $0x700  }
0x4c: {  	[sflag:s21] =	ssyncset.done $0x0  }
0x4d: {  	[sflag:s21] =	ssyncadd.s32 $0xFFFFF900  }
0x4e: {  	_ =	swait.ge [sflag:s20], $0x700  }
0x4f: {  	[sflag:s20] =	ssyncset.done $0x0  }
0x50: {  	[sflag:s20] =	ssyncadd.s32 $0xFFFFF900  }
0x51: {  	_ =	swait.ge [sflag:s21], $0x700  }
0x52: {  	[sflag:s21] =	ssyncset.done $0x0  }
0x53: {  	[sflag:s21] =	ssyncadd.s32 $0xFFFFF900  }
0x54: {  	_ =	swait.ge [sflag:s20], $0x700  }
0x55: {  	[sflag:s20] =	ssyncset.done $0x0  }
0x56: {  	[sflag:s20] =	ssyncadd.s32 $0xFFFFF900  }
0x57: {  	_ =	swait.ge [sflag:s21], $0x700  }
0x58: {  	[sflag:s21] =	ssyncset.done $0x0  }
0x59: {  	[sflag:s21] =	ssyncadd.s32 $0xFFFFF900  }
0x5a: {  	_ =	swait.ge [sflag:s20], $0x700  }
0x5b: {  	[sflag:s20] =	ssyncset.done $0x0  }
0x5c: {  	[sflag:s20] =	ssyncadd.s32 $0xFFFFF900  }
0x5d: {  	_ =	swait.ge [sflag:s21], $0x700  }
0x5e: {  	[sflag:s21] =	ssyncset.done $0x0  }
0x5f: {  	[sflag:s21] =	ssyncadd.s32 $0xFFFFF900  }
0x60: {  	_ =	swait.ge [sflag:s20], $0x700  }
0x61: {  	[sflag:s20] =	ssyncset.done $0x0  }
0x62: {  	[sflag:s20] =	ssyncadd.s32 $0xFFFFF900  }
0x63: {  	_ =	swait.ge [sflag:s21], $0x700  }
0x64: {  	[sflag:s21] =	ssyncset.done $0x0  }
0x65: {  	[sflag:s21] =	ssyncadd.s32 $0xFFFFF900  }
0x66: {  	_ =	swait.ge [sflag:s20], $0x700  }
0x67: {  	[sflag:s20] =	ssyncset.done $0x0  }
0x68: {  	[sflag:s20] =	ssyncadd.s32 $0xFFFFF900  }
0x69: {  	_ =	swait.ge [sflag:s21], $0x700  }
0x6a: {  	[sflag:s21] =	ssyncset.done $0x0  }
0x6b: {  	[sflag:s21] =	ssyncadd.s32 $0xFFFFF900  }
0x6c: {  	s23 =	sor.u32 $0x1C04, s7;
	[bflag:$0x0] =	sbarrier.arrive $0xFFFF  }
0x6d: {  	[hbm:s11], [sflag:s23] =	dma.local [spmem:s14], $0x500  }
0x6e: {  	s22 =	sadd.s32 $0x1, s22;
	_ =	swait.ge [sflag:s17], $0x500  }
0x6f: {  	p0 =	sne.s32 s22, s13;
	[sflag:s17] =	ssyncset.done $0x0  }
.Ltmp1:
0x70: {  	[sflag:s17] =	ssyncadd.s32 $0xFFFFFB00;
	(pc) =	sbr.rel @p0 .LBB2_1-.Ltmp1, $4  }
0x71: {  	[hbm:s12], [sflag:s23] =	dma.local [spmem:s15], $0x500  }
0x72: {  	_ =	swait.ge [sflag:s17], $0x500  }
0x73: {  	[sflag:s17] =	ssyncset.done $0x0  }
0x74: {  	[sflag:s17] =	ssyncadd.s32 $0xFFFFFB00  }
0x75: {  	_ =	sfence.sel $0x180000  }
0x76: {  	[bflag:$0x0] =	sbarrier.arrive $0xFFFF  }
0x77: {  	p0 =	sne.s32 s1, $0x0;
	_ =	strace $0x90000047  }
0x78: {  	s0 =	sadd.s32 @!p0 $0x100000, s0;
	[bflag:$0x2] =	sbarrier.arrive $0xFFFF  }
0x79: {  	[sflag:s0] =	ssyncadd.tile.s32 @!p0 $0x1;
	_ =	shalt  }
.Lfunc_end2:
_tile_overlayer_lowered:
.L_overlay_start_2:
0x7a: {  	(tag) =	ssettag $0x2  }
0x7b: {  	s0 =	rddreg [dreg:$0x0];
	s2 =	stileid.u32  }
0x7c: {  	s1 =	rddreg [dreg:$0x1];
	p0 =	sne.s32 s2, $0x0  }
0x7d: {  	s3 =	rddreg [dreg:$0x2];
	[bflag:$0x3] =	sbarrier.arrive $0xFFFF;
	s2 =	simm.s32 @!p0 $0x1C04  }
0x7e: {  	[timem:s3], [sflag:s2] =	dma.local @!p0 [hbm:s0], s1  }
0x7f: {  	s0 =	simm.s32 @!p0 $0x4  }
0x80: {  	_ =	swait.ge @!p0 [sflag:s0], s1  }
0x81: {  	s1 =	ssub.s32 @!p0 $0x0, s1;
	[sflag:s0] =	ssyncset.done @!p0 $0x0  }
0x82: {  	[sflag:s0] =	ssyncadd.s32 @!p0 s1  }
0x83: {  	[bflag:$0x3] =	sbarrier.arrive $0xFFFF  }
0x84: {  	_ =	shalt  }

// kernel: kernel.9.cloned.1.call-start
scs
__scs_entry_jumppad:
0x0: {  	(pc) =	sbr.rel $0x88, $3  }
0x1: {  	(tag) =	ssettag $0x0;
	lr =	simm.s32 $0x1  }
0x2: {  	[smem:$0x3F9B] =	sst lr;
	_ =	strace $0xD0000000  }
0x3: {  	_ = 	snop  }
0x4: {  	_ = 	snop  }
0x5: {  	_ = 	snop  }
0x6: {  	_ = 	snop  }
0x7: {  	_ = 	snop  }
__scs_overlays_trampoline_lowered:
0x8: {  	[smem:$0x3FAA] =	sst s0  }
0x9: {  	[smem:$0x3FAB] =	sst s1  }
0xa: {  	[smem:$0x3FAC] =	sst s2  }
0xb: {  	[smem:$0x3FAD] =	sst s3  }
0xc: {  	[smem:$0x3FAE] =	sst s4  }
0xd: {  	[smem:$0x3FAF] =	sst s5  }
0xe: {  	[smem:$0x3FB0] =	sst s6  }
0xf: {  	[smem:$0x3FB1] =	sst s7  }
0x10: {  	[smem:$0x3FB2] =	sst s8  }
0x11: {  	[smem:$0x3FB3] =	sst s9;
	s0 =	simm.s32 @!p0 $0x0  }
0x12: {  	s1 =	sld [smem:$0x3F99];
	s0 =	simm.s32 @p0 $0x1  }
0x13: {  	[smem:$0x3FB4] =	sst s0;
	s0 =	simm.s32 @!p1 $0x0  }
0x14: {  	s2 =	sld [smem:$0x3F98];
	s0 =	simm.s32 @p1 $0x1  }
0x15: {  	[smem:$0x3FB5] =	sst s0;
	s0 =	simm.s32 @!p2 $0x0  }
0x16: {  	s3 =	sld [smem:$0x3FDB];
	s0 =	simm.s32 @p2 $0x1  }
0x17: {  	s4 =	simm.s32 $0x1BF5;
	[smem:$0x3FB7] =	sst s0  }
0x18: {  	s0 =	sld [smem:$0x3F9A];
	_ =	swait.ge [sflag:s4], $0x0  }
0x19: {  	s7 =	sld [smem:$0x3F9B]  }
0x1a: {  	s8 =	sadd.s32 $0xFFFFE003, lr  }
0x1b: {  	s9 =	sadd.s32 $0xFFFFFEF7, lr;
	s5 =	simm.s32 $0xFFFFFFFF;
	p2 =	slt.u32 s8, $0xFFFFF086  }
0x1c: {  	p1 =	slt.u32 s9, $0xF7A;
	s5 =	simm.s32 @!p2 $0x0  }
0x1d: {  	s5 =	simm.s32 @p1 $0x1;
	p0 =	seq.s32 s7, s2  }
0x1e: {  	s7 =	smul.u32 @!p0 $0xF7A, s2;
	p2 =	seq.s32 @!p0 s5, $0x0  }
0x1f: {  	s9 =	smul.u32 $0xF7A, s1;
	s8 =	simm.s32 @!p0 $0x1BF5;
	p2 =	por !p2, p0  }
0x20: {  	[sflag:s8] =	ssyncset.s32 @!p0 $0xFFFFF086;
	s6 =	sadd.s32 @!p0 s3, s7;
	s7 =	simm.s32 @!p0 $0x108  }
0x21: {  	s3 =	sadd.s32 s3, s9;
	s6 =	sadd.s32 @!p0 $0x88, s6;
	s7 =	simm.s32 @p2 $0x1082  }
0x22: {  	[simem:s7], [sflag:s8] =	dma.local @!p0 [hbm:s6], $0xF7A  }
0x23: {  	s9 =	sor.u32 $0xD0000000, s2;
	s6 =	simm.s32 $0x108;
	_ =	swait.ge @!p0 [sflag:s8], $0x0  }
0x24: {  	s3 =	sadd.s32 $0x88, s3;
	s6 =	simm.s32 @!p1 $0x1082;
	[sflag:s4] =	ssyncset.s32 $0xFFFFF086  }
0x25: {  	[simem:s6], [sflag:s4] =	dma.local [hbm:s3], $0xF7A  }
0x26: {  	[smem:$0x3F9B] =	sst s1;
	(tag) =	ssettag s2;
	_ =	strace s9  }
0x27: {  	s1 =	sld [smem:$0x3FAB]  }
0x28: {  	s2 =	sld [smem:$0x3FAC]  }
0x29: {  	s4 =	sld [smem:$0x3FAE]  }
0x2a: {  	p0 =	seq.s32 s5, $0x0;
	s5 =	sld [smem:$0x3FAF]  }
0x2b: {  	s6 =	sld [smem:$0x3FB0]  }
0x2c: {  	s7 =	sld [smem:$0x3FB1]  }
0x2d: {  	s3 =	simm.s32 $0x108;
	s8 =	sld [smem:$0x3FB2]  }
0x2e: {  	s3 =	simm.s32 @!p0 $0x1082;
	s9 =	sld [smem:$0x3FB3]  }
0x2f: {  	lr =	sadd.s32 s0, s3;
	s0 =	sld [smem:$0x3FAA]  }
0x30: {  	s3 =	sld [smem:$0x3FAD]  }
0x31: {  	[smem:$0x3FB6] =	sst s10  }
0x32: {  	s10 =	sld [smem:$0x3FB4];
	_ =	sdelay $0x3  }
0x33: {  	p0 =	seq.s32 s10, $0x1;
	s10 =	sld [smem:$0x3FB6];
	_ =	sdelay $0x3  }
0x34: {  	[smem:$0x3FB6] =	sst s10  }
0x35: {  	s10 =	sld [smem:$0x3FB5];
	_ =	sdelay $0x3  }
0x36: {  	p1 =	seq.s32 s10, $0x1;
	s10 =	sld [smem:$0x3FB6];
	_ =	sdelay $0x3  }
0x37: {  	[smem:$0x3FB6] =	sst s10  }
0x38: {  	s10 =	sld [smem:$0x3FB7]  }
0x39: {  	_ = 	snop;
	(pc) =	sbr.ind lr, $3  }
0x3a: {  	_ = 	snop  }
0x3b: {  	_ = 	snop  }
0x3c: {  	p2 =	seq.s32 s10, $0x1;
	s10 =	sld [smem:$0x3FB6]  }
0x3d: {  	_ =	shalt  }
0x3e: {  	_ =	shalt  }
0x3f: {  	_ =	shalt  }
0x40: {  	_ =	shalt  }
0x41: {  	_ =	shalt  }
0x42: {  	_ =	shalt  }
0x43: {  	_ =	shalt  }
0x44: {  	_ =	shalt  }
0x45: {  	_ =	shalt  }
0x46: {  	_ =	shalt  }
0x47: {  	_ =	shalt  }
0x48: {  	_ =	shalt  }
0x49: {  	_ =	shalt  }
0x4a: {  	_ =	shalt  }
0x4b: {  	_ =	shalt  }
0x4c: {  	_ =	shalt  }
0x4d: {  	_ =	shalt  }
0x4e: {  	_ =	shalt  }
0x4f: {  	_ =	shalt  }
0x50: {  	_ =	shalt  }
0x51: {  	_ =	shalt  }
0x52: {  	_ =	shalt  }
0x53: {  	_ =	shalt  }
0x54: {  	_ =	shalt  }
0x55: {  	_ =	shalt  }
0x56: {  	_ =	shalt  }
0x57: {  	_ =	shalt  }
0x58: {  	_ =	shalt  }
0x59: {  	_ =	shalt  }
0x5a: {  	_ =	shalt  }
0x5b: {  	_ =	shalt  }
0x5c: {  	_ =	shalt  }
0x5d: {  	_ =	shalt  }
0x5e: {  	_ =	shalt  }
0x5f: {  	_ =	shalt  }
0x60: {  	_ =	shalt  }
0x61: {  	_ =	shalt  }
0x62: {  	_ =	shalt  }
0x63: {  	_ =	shalt  }
0x64: {  	_ =	shalt  }
0x65: {  	_ =	shalt  }
0x66: {  	_ =	shalt  }
0x67: {  	_ =	shalt  }
0x68: {  	_ =	shalt  }
0x69: {  	_ =	shalt  }
0x6a: {  	_ =	shalt  }
0x6b: {  	_ =	shalt  }
0x6c: {  	_ =	shalt  }
0x6d: {  	_ =	shalt  }
0x6e: {  	_ =	shalt  }
0x6f: {  	_ =	shalt  }
0x70: {  	_ =	shalt  }
0x71: {  	_ =	shalt  }
0x72: {  	_ =	shalt  }
0x73: {  	_ =	shalt  }
0x74: {  	_ =	shalt  }
0x75: {  	_ =	shalt  }
0x76: {  	_ =	shalt  }
0x77: {  	_ =	shalt  }
0x78: {  	_ =	shalt  }
0x79: {  	_ =	shalt  }
0x7a: {  	_ =	shalt  }
0x7b: {  	_ =	shalt  }
0x7c: {  	_ =	shalt  }
0x7d: {  	_ =	shalt  }
0x7e: {  	_ =	shalt  }
0x7f: {  	_ =	shalt  }
0x80: {  	_ =	shalt  }
0x81: {  	_ =	shalt  }
0x82: {  	_ =	shalt  }
0x83: {  	_ =	shalt  }
0x84: {  	_ =	shalt  }
0x85: {  	_ =	shalt  }
0x86: {  	_ =	shalt  }
0x87: {  	_ =	shalt  }
.Lfunc_end0:
.L_simem_size_0:
called_computation.1_lowered:
.L_overlay_start_0:
0x88: {  	s2 =	sld [smem:$0x3FD9]  }
0x89: {  	s3 =	sld [smem:$0x3FFE];
	_ =	sdelay $0x1  }
0x8a: {  	s1 =	srdreg.scid  }
0x8b: {  	s0 =	sand.u32 $0x1, s1  }
0x8c: {  	s17 =	sshll.u32 s0, $0xA;
	s2 =	sadd.s32 s3, s2  }
0x8d: {  	s2 =	sadd.s32 s2, s17  }
0x8e: {  	[smem:$0x3FC2] =	sst s2  }
0x8f: {  	_ = 	snop  }
0x90: {  	s2 =	sld [smem:$0x3FD0];
	(tm) =	ssettm $0x1  }
0x91: {  	s18 =	sld [smem:$0x3FFB];
	_ =	sdelay $0x3  }
0x92: {  	_ =	strace s18  }
0x93: {  	s3 =	sld [smem:$0x3FFC];
	_ =	sdelay $0x3  }
0x94: {  	_ =	strace s3  }
0x95: {  	s3 =	sld [smem:$0x3FFD];
	_ =	sdelay $0x3  }
0x96: {  	_ =	strace s3  }
0x97: {  	_ =	strace $0x8FFFFFFF  }
0x98: {  	s19 =	sld [smem:$0x3FDB];
	_ =	sdelay $0x1  }
0x99: {  	s4 =	simm.s32 $_scs_section_size  }
0x9a: {  	s5 =	simm.s32 $_size__tile_overlayer_lowered;
	s6 =	simm.s32 $_tile_overlayer_lowered  }
0x9b: {  	s22 =	simm.s32 $0x1BFF;
	s21 =	sshll.u32 s6, $0x1;
	s3 =	sadd.s32 s4, s19  }
0x9c: {  	s7 =	simm.s32 $0x0;
	s20 =	sshll.u32 s5, $0x1;
	s5 =	sadd.s32 s21, s3  }
0x9d: {  	[timem:s7], [sflag:s22] =	dma.local [hbm:s5], s20  }
0x9e: {  	_ =	swait.ge [sflag:s22], s20  }
0x9f: {  	s4 =	ssub.s32 $0x0, s20;
	[sflag:s22] =	ssyncset.done $0x0  }
0xa0: {  	[sflag:s22] =	ssyncadd.s32 s4;
	_ =	sdelay $0x1  }
0xa1: {  	s23 =	simm.s32 $0x1B8B  }
0xa2: {  	_ =	swait.ge [sflag:s23], $0x1  }
0xa3: {  	[sflag:s23] =	ssyncset.done $0x0  }
0xa4: {  	s25 =	simm.s32 $0x1B8E;
	s24 =	sld [smem:$0x3FFE];
	[sflag:s23] =	ssyncadd.s32 $0xFFFFFFFF  }
0xa5: {  	s26 =	simm.s32 $execute0_lowered;
	[smem:$0x3FD2] =	sst s25  }
0xa6: {  	s5 =	sshll.u32 s26, $0x1;
	_ =	strace $0x80000049;
	[dreg:$0x1] =	wrdreg $0xFFFFFFFF  }
0xa7: {  	s28 =	simm.s32 $_size_execute0_lowered;
	s3 =	sadd.s32 s3, s5;
	[dreg:$0x0] =	wrdreg $0x0  }
0xa8: {  	s5 =	sshll.u32 s28, $0x1;
	[dreg:$0x2] =	wrdreg s3  }
0xa9: {  	[dreg:$0x3] =	wrdreg s5  }
0xaa: {  	[dreg:$0x4] =	wrdreg $0xC0  }
0xab: {  	_ =	task [dreg:s7], $0x5FFFF  }
0xac: {  	[dreg:$0x1] =	wrdreg $0xFFFFFFFF  }
0xad: {  	[dreg:$0x0] =	wrdreg $0x60  }
0xae: {  	[dreg:$0x2] =	wrdreg s24  }
0xaf: {  	[dreg:$0x3] =	wrdreg s2  }
0xb0: {  	[dreg:$0x4] =	wrdreg $0x0  }
0xb1: {  	[dreg:$0x5] =	wrdreg $0x9  }
0xb2: {  	_ =	task.clear_ibuf [dreg:s7], $0x6FFFF;
	_ =	strace $0x90000049  }
0xb3: {  	s29 =	simm.s32 $0x9;
	_ =	strace $0x8000004B  }
0xb4: {  	_ =	swait.ge [sflag:s29], $0x1  }
0xb5: {  	[sflag:s29] =	ssyncadd.s32 $0xFFFFFFFF  }
0xb6: {  	_ =	strace $0x9000004B  }
0xb7: {  	_ =	sfence  }
0xb8: {  	s30 =	sld [smem:$0x0];
	_ =	sdelay $0x2  }
0xb9: {  	s31 =	sshll.u32 s1, $0xD;
	s1 =	sshrl.u32 s1, $0x2  }
0xba: {  	s3 =	sand.u32 $0x4000, s31;
	s1 =	sadd.s32 s1, s30  }
0xbb: {  	s0 =	sor.u32 s3, s0;
	s1 =	sshll.u32 s1, $0x11  }
0xbc: {  	s0 =	sor.u32 s1, s0  }
0xbd: {  	s0 =	sadd.s32 $0x8F2B, s0  }
0xbe: {  	[sflag:s0] =	ssyncadd.remote.s32 $0x1  }
0xbf: {  	_ =	sfence.sel $0xFFFF  }
0xc0: {  	[dreg:$0x0] =	wrdreg $0xFFFFFFFF;
	(pc) =	sbr.abs _section_cstart, $3  }
0xc1: {  	[dreg:$0x1] =	wrdreg $0xFFFFFFFF  }
0xc2: {  	_ =	task.clear_ibuf [dreg:s7], $0x2FFFF;
	_ =	strace $0x9FFFFFFF  }
0xc3: {  	(tm) =	ssettm $0x7FFFFFFF  }
tec
execute0_lowered:
.L_overlay_start_1:
0x0: {  	(tag) =	ssettag $0x1  }
0x1: {  	s6 =	rddreg [dreg:$0x0]  }
0x2: {  	s7 =	rddreg [dreg:$0x1]  }
0x3: {  	s2 =	rddreg [dreg:$0x2]  }
0x4: {  	s0 =	rddreg [dreg:$0x3]  }
0x5: {  	s4 =	srdreg.scid;
	s1 =	stileid.u32;
	s3 =	simm.s32 $0x0  }
0x6: {  	s13 =	simm.s32 $0x4;
	s14 =	simm.s32 $0x16760;
	s15 =	simm.s32 $0x3  }
0x7: {  	s16 =	simm.s32 $0x70;
	s17 =	simm.s32 $0x18EC0;
	s18 =	simm.s32 $0x1C6C0  }
0x8: {  	s19 =	simm.s32 $0x1;
	s20 =	simm.s32 $0x2;
	s21 =	simm.s32 $0x166F0  }
0x9: {  	s22 =	simm.s32 $0x18DE0;
	s23 =	simm.s32 $0x18E50;
	s25 =	simm.s32 $0x0  }
0xa: {  	s5 =	sand.u32 $0x1, s4;
	s8 =	smul.u32 $0x14000, s1;
	[smem:$0x7FF] =	sst s3  }
0xb: {  	s4 =	sadd.s32 $0x16A00, s6;
	s24 =	sshll.u32 s1, $0x6;
	s9 =	smul.u32 $0x140000, s5  }
0xc: {  	_ =	strace $0x8000004A;
	s10 =	sshll.u32 s5, $0x4;
	s11 =	ssub.s32 $0x2, s5  }
0xd: {  	s5 =	sadd.s32 $0x2200, s6;
	s10 =	sor.u32 s1, s10;
	s9 =	sadd.s32 s8, s9  }
0xe: {  	s31 =	sshrl.u32 s11, $0x1;
	s10 =	smul.u32 $0x2760, s10;
	s9 =	sshrl.u32 s9, $0x3  }
0xf: {  	s12 =	sadd.s32 s8, s2;
	s11 =	ssub.s32 s11, s31;
	s9 =	sadd.s32 s9, s6  }
0x10: {  	s10 =	sshrl.u32 s10, $0x3;
	s6 =	sor.u32 $0x1C03, s24;
	s24 =	sor.u32 $0x1C04, s24  }
0x11: {  	s7 =	sadd.s32 s7, s10;
	s9 =	sadd.s32 $0x3EA00, s9;
	s10 =	smax.u32 s11, $0x1  }
0x12: {  	s11 =	sshrl.u32 s12, $0x3;
	s12 =	simm.s32 $0x14000;
	s8 =	sadd.s32 $0x9D80, s7  }
.LBB2_1:
0x13: {  	[spmem:s11], [sflag:s6] =	dma.local [hbm:s5], $0x2800  }
0x14: {  	[tilespmem:s12], [sflag:$0x4] =	stream.linear.gather [hbm4b:s7+s3], $0x2760, $0x38;
	[tilespmem:$0x1FEC0] =	vst v63  }
0x15: {  	_ =	swait.ge [sflag:s13], $0x2760  }
0x16: {  	[sflag:s13] =	ssyncset.done $0x0  }
0x17: {  	[sflag:s13] =	ssyncadd.s32 $0xFFFFD8A0  }
0x18: {  	[tilespmem:s14], [sflag:$0x4] =	stream.linear.gather [hbm4b:s8+s3], $0x2760, $0x38;
	[tilespmem:$0x1FEC0] =	vst v63  }
0x19: {  	_ =	swait.ge [sflag:s13], $0x2760  }
0x1a: {  	[sflag:s13] =	ssyncset.done $0x0  }
0x1b: {  	[sflag:s13] =	ssyncadd.s32 $0xFFFFD8A0  }
0x1c: {  	_ =	swait.ge [sflag:s15], $0x2800  }
0x1d: {  	[sflag:s15] =	ssyncset.done $0x0  }
0x1e: {  	[sflag:s15] =	ssyncadd.s32 $0xFFFFD800  }
0x1f: {  	[bflag:$0x0] =	sbarrier.arrive $0xFFFF  }
0x20: {  	[tilespmem:s17], [sflag:$0x1] =	stream.indirect.gather [hbm4b:s4+s16], $0x80, s12, s16, $0xb8;
	[tilespmem:$0x1FEC0] =	vst v63  }
0x21: {  	s26 =	simm.s32 $0x14070  }
0x22: {  	[tilespmem:s18], [sflag:$0x2] =	stream.indirect.gather [hbm4b:s4+s16], $0x80, s26, s16, $0xb8;
	[tilespmem:$0x1FEC0] =	vst v63  }
0x23: {  	_ =	swait.ge [sflag:s19], $0x3800  }
0x24: {  	[sflag:s19] =	ssyncset.done $0x0  }
0x25: {  	s29 =	simm.s32 $0x16760;
	[sflag:s19] =	ssyncadd.s32 $0xFFFFC800  }
0x26: {  	[spmem:s2] =	stream.indirect.scatter.add.f32 [tilespmem:s17], [sflag:$0x4], $0x80, s29, s16, $0xb8;
	[tilespmem:$0x1FEC0] =	vst v63  }
0x27: {  	_ =	swait.ge [sflag:s13], $0x3800  }
0x28: {  	[sflag:s13] =	ssyncset.done $0x0  }
0x29: {  	s30 =	simm.s32 $0x140E0;
	[sflag:s13] =	ssyncadd.s32 $0xFFFFC800  }
0x2a: {  	[tilespmem:s17], [sflag:$0x1] =	stream.indirect.gather [hbm4b:s4+s16], $0x80, s30, s16, $0xb8;
	[tilespmem:$0x1FEC0] =	vst v63  }
0x2b: {  	_ =	swait.ge [sflag:s20], $0x3800  }
0x2c: {  	[sflag:s20] =	ssyncset.done $0x0  }
0x2d: {  	s31 =	simm.s32 $0x167D0;
	[sflag:s20] =	ssyncadd.s32 $0xFFFFC800  }
0x2e: {  	[spmem:s2] =	stream.indirect.scatter.add.f32 [tilespmem:s18], [sflag:$0x4], $0x80, s31, s16, $0xb8;
	[tilespmem:$0x1FEC0] =	vst v63  }
0x2f: {  	_ =	swait.ge [sflag:s13], $0x3800  }
0x30: {  	s28 =	simm.s32 $0x700;
	s26 =	simm.s32 $0xE0;
	[sflag:s13] =	ssyncset.done $0x0  }
.LBB2_2:
0x31: {  	s29 =	sadd.s32 $0x14070, s26  }
0x32: {  	[sflag:s13] =	ssyncadd.s32 $0xFFFFC800;
	s30 =	smov.u32 s28;
	s31 =	sadd.s32 $0x380, s28  }
0x33: {  	[tilespmem:s18], [sflag:$0x2] =	stream.indirect.gather [hbm4b:s4+s16], $0x80, s29, s16, $0xb8;
	[tilespmem:$0x1FEC0] =	vst v63  }
0x34: {  	p0 =	sne.s32 s28, $0x9680;
	_ =	swait.ge [sflag:s19], $0x3800  }
0x35: {  	[sflag:s19] =	ssyncset.done $0x0  }
0x36: {  	s28 =	sadd.s32 $0x16760, s26;
	[sflag:s19] =	ssyncadd.s32 $0xFFFFC800  }
0x37: {  	[spmem:s2] =	stream.indirect.scatter.add.f32 [tilespmem:s17], [sflag:$0x4], $0x80, s28, s16, $0xb8;
	[tilespmem:$0x1FEC0] =	vst v63  }
0x38: {  	_ =	swait.ge [sflag:s13], $0x3800  }
0x39: {  	[sflag:s13] =	ssyncset.done $0x0  }
0x3a: {  	s28 =	sadd.s32 $0x140E0, s26;
	[sflag:s13] =	ssyncadd.s32 $0xFFFFC800  }
0x3b: {  	[tilespmem:s17], [sflag:$0x1] =	stream.indirect.gather [hbm4b:s4+s16], $0x80, s28, s16, $0xb8;
	[tilespmem:$0x1FEC0] =	vst v63  }
0x3c: {  	_ =	swait.ge [sflag:s20], $0x3800  }
.Ltmp0:
0x3d: {  	[sflag:s20] =	ssyncset.done $0x0;
	(pc) =	sbr.rel @p0 .LBB2_2-.Ltmp0, $4  }
0x3e: {  	s26 =	sadd.s32 $0x167D0, s26;
	[sflag:s20] =	ssyncadd.s32 $0xFFFFC800  }
0x3f: {  	[spmem:s2] =	stream.indirect.scatter.add.f32 [tilespmem:s18], [sflag:$0x4], $0x80, s26, s16, $0xb8;
	[tilespmem:$0x1FEC0] =	vst v63  }
0x40: {  	_ =	swait.ge [sflag:s13], $0x3800  }
0x41: {  	s28 =	smov.u32 s31;
	s26 =	sshra.s32 s30, $0x2;
	[sflag:s13] =	ssyncset.done $0x0  }
0x42: {  	s28 =	sadd.s32 $0x14070, s26;
	[sflag:s13] =	ssyncadd.s32 $0xFFFFC800  }
0x43: {  	[tilespmem:s18], [sflag:$0x2] =	stream.indirect.gather [hbm4b:s4+s16], $0x80, s28, s16, $0xb8;
	[tilespmem:$0x1FEC0] =	vst v63  }
0x44: {  	_ =	swait.ge [sflag:s19], $0x3800  }
0x45: {  	[sflag:s19] =	ssyncset.done $0x0  }
0x46: {  	s29 =	sadd.s32 $0x16760, s26;
	[sflag:s19] =	ssyncadd.s32 $0xFFFFC800  }
0x47: {  	[spmem:s2] =	stream.indirect.scatter.add.f32 [tilespmem:s17], [sflag:$0x4], $0x80, s29, s16, $0xb8;
	[tilespmem:$0x1FEC0] =	vst v63  }
0x48: {  	_ =	swait.ge [sflag:s13], $0x3800  }
0x49: {  	[sflag:s13] =	ssyncset.done $0x0  }
0x4a: {  	s30 =	sadd.s32 $0x140E0, s26;
	[sflag:s13] =	ssyncadd.s32 $0xFFFFC800  }
0x4b: {  	[tilespmem:s17], [sflag:$0x1] =	stream.indirect.gather [hbm4b:s4+s16], $0x80, s30, s16, $0xb8;
	[tilespmem:$0x1FEC0] =	vst v63  }
0x4c: {  	_ =	swait.ge [sflag:s20], $0x3800  }
0x4d: {  	[sflag:s20] =	ssyncset.done $0x0  }
0x4e: {  	s31 =	sadd.s32 $0x167D0, s26;
	[sflag:s20] =	ssyncadd.s32 $0xFFFFC800  }
0x4f: {  	[spmem:s2] =	stream.indirect.scatter.add.f32 [tilespmem:s18], [sflag:$0x4], $0x80, s31, s16, $0xb8;
	[tilespmem:$0x1FEC0] =	vst v63  }
0x50: {  	_ =	swait.ge [sflag:s13], $0x3800  }
0x51: {  	[sflag:s13] =	ssyncset.done $0x0  }
0x52: {  	[sflag:s13] =	ssyncadd.s32 $0xFFFFC800  }
0x53: {  	[tilespmem:s18], [sflag:$0x2] =	stream.indirect.gather [hbm4b:s4+s16], $0x80, s21, s16, $0xb8;
	[tilespmem:$0x1FEC0] =	vst v63  }
0x54: {  	_ =	swait.ge [sflag:s19], $0x3800  }
0x55: {  	[sflag:s19] =	ssyncset.done $0x0  }
0x56: {  	[sflag:s19] =	ssyncadd.s32 $0xFFFFC800  }
0x57: {  	[spmem:s2] =	stream.indirect.scatter.add.f32 [tilespmem:s17], [sflag:$0x4], $0x80, s22, s16, $0xb8;
	[tilespmem:$0x1FEC0] =	vst v63  }
0x58: {  	_ =	swait.ge [sflag:s13], $0x3800  }
0x59: {  	[sflag:s13] =	ssyncset.done $0x0  }
0x5a: {  	[sflag:s13] =	ssyncadd.s32 $0xFFFFC800  }
0x5b: {  	_ =	swait.ge [sflag:s20], $0x3800  }
0x5c: {  	[sflag:s20] =	ssyncset.done $0x0  }
0x5d: {  	[sflag:s20] =	ssyncadd.s32 $0xFFFFC800  }
0x5e: {  	[spmem:s2] =	stream.indirect.scatter.add.f32 [tilespmem:s18], [sflag:$0x4], $0x80, s23, s16, $0xb8;
	[tilespmem:$0x1FEC0] =	vst v63  }
0x5f: {  	_ =	swait.ge [sflag:s13], $0x3800  }
0x60: {  	s25 =	sadd.s32 $0x1, s25;
	[sflag:s13] =	ssyncset.done $0x0  }
0x61: {  	p0 =	sne.s32 s25, s10;
	[sflag:s13] =	ssyncadd.s32 $0xFFFFC800  }
.Ltmp1:
0x62: {  	[bflag:$0x0] =	sbarrier.arrive $0xFFFF;
	(pc) =	sbr.rel @p0 .LBB2_1-.Ltmp1, $4  }
0x63: {  	[hbm:s9], [sflag:s24] =	dma.local [spmem:s11], $0x2800  }
0x64: {  	_ =	swait.ge [sflag:s13], $0x2800  }
0x65: {  	[sflag:s13] =	ssyncset.done $0x0  }
0x66: {  	[sflag:s13] =	ssyncadd.s32 $0xFFFFD800  }
0x67: {  	_ =	sfence.sel $0x180000  }
0x68: {  	[bflag:$0x0] =	sbarrier.arrive $0xFFFF  }
0x69: {  	p0 =	sne.s32 s1, $0x0;
	_ =	strace $0x9000004A  }
0x6a: {  	s0 =	sadd.s32 @!p0 $0x100000, s0;
	[bflag:$0x2] =	sbarrier.arrive $0xFFFF  }
0x6b: {  	[sflag:s0] =	ssyncadd.tile.s32 @!p0 $0x1;
	_ =	shalt  }
.Lfunc_end2:
_tile_overlayer_lowered:
.L_overlay_start_2:
0x6c: {  	(tag) =	ssettag $0x2  }
0x6d: {  	s0 =	rddreg [dreg:$0x0];
	s2 =	stileid.u32  }
0x6e: {  	s1 =	rddreg [dreg:$0x1];
	p0 =	sne.s32 s2, $0x0  }
0x6f: {  	s3 =	rddreg [dreg:$0x2];
	[bflag:$0x3] =	sbarrier.arrive $0xFFFF;
	s2 =	simm.s32 @!p0 $0x1C04  }
0x70: {  	[timem:s3], [sflag:s2] =	dma.local @!p0 [hbm:s0], s1  }
0x71: {  	s0 =	simm.s32 @!p0 $0x4  }
0x72: {  	_ =	swait.ge @!p0 [sflag:s0], s1  }
0x73: {  	s1 =	ssub.s32 @!p0 $0x0, s1;
	[sflag:s0] =	ssyncset.done @!p0 $0x0  }
0x74: {  	[sflag:s0] =	ssyncadd.s32 @!p0 s1  }
0x75: {  	[bflag:$0x3] =	sbarrier.arrive $0xFFFF  }
0x76: {  	_ =	shalt  }

</sc_bundles>
